<compile_context>
chip_gen: v7x
topology: tpu7x:2x2x1
jax: 0.10.2.dev20260603
libtpu: 0.0.44.dev20260713+nightly
codegen_flags: <defaults>
</compile_context>

<pallas_src>
import functools

import jax
import jax.numpy as jnp
from jax import lax
from jax.experimental import pallas as pl
from jax.experimental.pallas import tpu as pltpu
from jax.experimental.pallas import tpu_sc as plsc

N = 10000
D = 128
E = 320000

NP = 10240
NCORES = 2
NSUB = 16
NW = NCORES * NSUB
CHUNK = 128
CPW = 80
EP = NW * CPW * CHUNK
RPT = NP // NSUB
NZ = RPT // CHUNK


def _mesh():
    return plsc.VectorSubcoreMesh(
        core_axis_name="c", subcore_axis_name="s", num_cores=NCORES, num_subcores=NSUB
    )


def _fill_const(ref, rows, width, val):
    vec = jnp.full((16,), val, jnp.float32)

    def row(i, carry):
        for k in range(width // 16):
            ref[i, pl.ds(k * 16, 16)] = vec
        return carry

    lax.fori_loop(0, rows, row, 0)


def _zero_acc(buf0, acc, s):
    def zero_chunk(j, carry):
        base = s * RPT + j * CHUNK
        pltpu.sync_copy(buf0, acc.at[pl.ds(base, CHUNK)])
        return carry

    lax.fori_loop(0, NZ, zero_chunk, 0)


def _agg_phase(x_hbm, sd_hbm, part, sd_v, buf0, buf1, acc, sem0, sem1, c, s, w):
    _fill_const(buf0, CHUNK, D, 0.0)
    _zero_acc(buf0, acc, s)
    plsc.subcore_barrier()

    def slab(t, carry):
        pltpu.sync_copy(sd_hbm.at[pl.ds(w * (2 * CPW) + t * 8, 8)], sd_v)
        for m in (0, 2):
            h0 = pltpu.async_copy(x_hbm.at[sd_v.at[2 * m]], buf0, sem0)
            h1 = pltpu.async_copy(x_hbm.at[sd_v.at[2 * m + 2]], buf1, sem1)
            h0.wait()
            pltpu.sync_copy(buf0, acc.at[sd_v.at[2 * m + 1]], add=True)
            h1.wait()
            pltpu.sync_copy(buf1, acc.at[sd_v.at[2 * m + 3]], add=True)
        return carry

    lax.fori_loop(0, CPW // 4, slab, 0)

    plsc.subcore_barrier()

    pltpu.sync_copy(acc.at[pl.ds(s * RPT, RPT)], part.at[c, pl.ds(s * RPT, RPT)])


def _agg_body(x_hbm, sd_hbm, part, sd_v, buf0, buf1, acc, sem0, sem1):
    c = lax.axis_index("c")
    s = lax.axis_index("s")
    w = c * NSUB + s
    _agg_phase(x_hbm, sd_hbm, part, sd_v, buf0, buf1, acc, sem0, sem1, c, s, w)


def _agg_cnt_body(x_hbm, sd_hbm, part, cntp, sd_v, buf0, buf1, acc, sem0, sem1):
    c = lax.axis_index("c")
    s = lax.axis_index("s")
    w = c * NSUB + s

    _fill_const(buf0, CHUNK, D, 0.0)
    _zero_acc(buf0, acc, s)
    _fill_const(buf0, CHUNK, D, 1.0)
    plsc.subcore_barrier()

    def cnt_slab(t, carry):
        pltpu.sync_copy(sd_hbm.at[pl.ds(w * (2 * CPW) + t * 8, 8)], sd_v)
        for m in range(4):
            pltpu.sync_copy(buf0, acc.at[sd_v.at[2 * m + 1]], add=True)
        return carry

    lax.fori_loop(0, CPW // 4, cnt_slab, 0)
    plsc.subcore_barrier()
    pltpu.sync_copy(acc.at[pl.ds(s * RPT, RPT)], cntp.at[c, pl.ds(s * RPT, RPT)])

    _agg_phase(x_hbm, sd_hbm, part, sd_v, buf0, buf1, acc, sem0, sem1, c, s, w)


def _make_agg(with_counts):
    out_type = [jax.ShapeDtypeStruct((NCORES, NP, D), jnp.float32)]
    if with_counts:
        out_type.append(jax.ShapeDtypeStruct((NCORES, NP, D), jnp.float32))
    return pl.kernel(
        _agg_cnt_body if with_counts else _agg_body,
        out_type=tuple(out_type),
        mesh=_mesh(),
        scratch_types=(
            pltpu.VMEM((8, CHUNK), jnp.int32),
            pltpu.VMEM((CHUNK, D), jnp.float32),
            pltpu.VMEM((CHUNK, D), jnp.float32),
            pltpu.VMEM_SHARED((NP, D), jnp.float32),
            pltpu.SemaphoreType.DMA,
            pltpu.SemaphoreType.DMA,
        ),
        name="sage_agg_cnt" if with_counts else "sage_agg",
    )


def _dense_body(relu, p_ref, c_ref, x_ref, wl_ref, wr_ref, b_ref, o_ref):
    psum = p_ref[0] + p_ref[1]
    cnt = (c_ref[0] + c_ref[1])[:, :1]
    mean = psum * (1.0 / jnp.maximum(cnt, 1.0))
    y = jnp.dot(mean, wl_ref[...], preferred_element_type=jnp.float32)
    y = y + jnp.dot(x_ref[...], wr_ref[...], preferred_element_type=jnp.float32)
    y = y + b_ref[...]
    if relu:
        y = jnp.maximum(y, 0.0)
    o_ref[...] = y


def _dense(p, cntp, x, wlT, wrT, b, relu):
    BN = 400
    return pl.pallas_call(
        functools.partial(_dense_body, relu),
        grid=(N // BN,),
        in_specs=[
            pl.BlockSpec((NCORES, BN, D), lambda i: (0, i, 0)),
            pl.BlockSpec((NCORES, BN, D), lambda i: (0, i, 0)),
            pl.BlockSpec((BN, D), lambda i: (i, 0)),
            pl.BlockSpec((D, D), lambda i: (0, 0)),
            pl.BlockSpec((D, D), lambda i: (0, 0)),
            pl.BlockSpec((1, D), lambda i: (0, 0)),
        ],
        out_specs=pl.BlockSpec((BN, D), lambda i: (i, 0)),
        out_shape=jax.ShapeDtypeStruct((N, D), jnp.float32),
    )(p, cntp, x, wlT, wrT, b)


def kernel(x, edge_index, drpt, Wl1, bl1, Wr1, Wl2, bl2, Wr2):
    src = edge_index[0].astype(jnp.int32)
    dst = edge_index[1].astype(jnp.int32)
    pad = jnp.arange(EP - E, dtype=jnp.int32)
    srcp = jnp.concatenate([src, pad % N])
    dstp = jnp.concatenate([dst, N + pad % (NP - N)])
    srcp = srcp.reshape(EP // CHUNK, CHUNK)
    dstp = dstp.reshape(EP // CHUNK, CHUNK)
    sd = jnp.stack([srcp, dstp], axis=1).reshape(2 * EP // CHUNK, CHUNK)

    agg1 = _make_agg(True)
    agg2 = _make_agg(False)

    part1, cntp = agg1(x, sd)
    h = _dense(part1, cntp, x, Wl1.T, Wr1.T, bl1.reshape(1, D), True)
    (part2,) = agg2(h, sd)
    out = _dense(part2, cntp, h, Wl2.T, Wr2.T, bl2.reshape(1, D), False)
    return out

# --- scband reference (transcript-rebuilt; emitter-appended) ---
"""Pipeline reference for scband-two-layer-graph-sage-47691316854881 (READ-ONLY COPY).

The authoritative reference and input builder live on the scoring server;
editing this copy changes nothing except your own understanding.
"""

import jax, jax.numpy as jnp
import numpy as np

N = 10000
E = 320000
D_IN = 128
D_H = 128
D_OUT = 128


def setup_inputs(seed: int = 0) -> dict:
    key = jax.random.key(seed)
    ks = jax.random.split(key, 10)
    x = jax.random.normal(ks[0], (N, D_IN), dtype=jnp.float32)
    edge_index = jax.random.randint(ks[1], (2, E), 0, N)
    drpt = 0
    s1 = 1.0 / np.sqrt(D_IN)
    s2 = 1.0 / np.sqrt(D_H)
    Wl1 = jax.random.uniform(ks[2], (D_H, D_IN), jnp.float32, -s1, s1)
    bl1 = jax.random.uniform(ks[3], (D_H,), jnp.float32, -s1, s1)
    Wr1 = jax.random.uniform(ks[4], (D_H, D_IN), jnp.float32, -s1, s1)
    Wl2 = jax.random.uniform(ks[5], (D_OUT, D_H), jnp.float32, -s2, s2)
    bl2 = jax.random.uniform(ks[6], (D_OUT,), jnp.float32, -s2, s2)
    Wr2 = jax.random.uniform(ks[7], (D_OUT, D_H), jnp.float32, -s2, s2)
    return {"x": x, "edge_index": edge_index, "drpt": drpt,
            "Wl1": Wl1, "bl1": bl1, "Wr1": Wr1,
            "Wl2": Wl2, "bl2": bl2, "Wr2": Wr2}


def _sage_conv(x, src, dst, Wl, bl, Wr):
    # PyG SAGEConv(aggr='mean'): out = lin_l(mean_j x_j) + lin_r(x_root)
    msgs = jnp.take(x, src, axis=0)                      # gather x_j over edges
    summed = jax.ops.segment_sum(msgs, dst, num_segments=N)
    cnt = jax.ops.segment_sum(jnp.ones((src.shape[0],), dtype=x.dtype), dst, num_segments=N)
    mean = summed / jnp.clip(cnt, 1.0, None)[:, None]
    return mean @ Wl.T + bl + x @ Wr.T


def reference(x, edge_index, drpt, Wl1, bl1, Wr1, Wl2, bl2, Wr2):
    src = edge_index[0]
    dst = edge_index[1]
    h = _sage_conv(x, src, dst, Wl1, bl1, Wr1)
    h = jax.nn.relu(h)
    # dropout: module evaluated with training=False (and p=drpt=0) -> identity
    out = _sage_conv(h, src, dst, Wl2, bl2, Wr2)
    return out

if __name__ == "__main__":
    import jax
    _d = setup_inputs()
    print(jax.jit(kernel)(*tuple(_d.values())))

</pallas_src>

<mosaic_0001>
#map = affine_map<(d0, d1) -> (0, 0)>
#map1 = affine_map<(d0, d1) -> (0, 0, 0)>
module attributes {stable_mosaic.version = 14 : i64} {
  func.func @sage_agg(%arg0: i32, %arg1: i32, %arg2: memref<10000x128xf32, #tpu.memory_space<hbm>>, %arg3: memref<5120x128xi32, #tpu.memory_space<hbm>>, %arg4: memref<2x10240x128xf32, #tpu.memory_space<hbm>>, %arg5: memref<8x128xi32, #tpu.memory_space<vmem>>, %arg6: memref<128x128xf32, #tpu.memory_space<vmem>>, %arg7: memref<128x128xf32, #tpu.memory_space<vmem>>, %arg8: memref<10240x128xf32, #tpu.memory_space<vmem_shared>>, %arg9: memref<!tpu.dma_semaphore, #tpu.memory_space<semaphore_mem>>, %arg10: memref<!tpu.dma_semaphore, #tpu.memory_space<semaphore_mem>>) attributes {dimension_semantics = [#tpu.dimension_semantics<core_parallel>, #tpu.dimension_semantics<subcore_parallel>], iteration_bounds = array<i64: 2, 16>, scalar_prefetch = 0 : i64, scratch_operands = 6 : i64, tpu.core_type = #tpu.core_type<sc_vector_subcore>, window_params = [{transform_indices = #map}, {transform_indices = #map}, {transform_indices = #map1}]} {
    %mul3A = arith.constant 16 : i32
    %mul3A_0 = arith.muli %arg0, %mul3A : i32
    %add3A = arith.addi %mul3A_0, %arg1 : i32
    %broadcast_in_dim3A = arith.constant 0.000000e+00 : f32
    %broadcast_in_dim3A_1 = vector.broadcast %broadcast_in_dim3A : f32 to vector<16xf32>
    %scan3A = arith.constant 0 : i32
    %scan3A_2 = arith.constant 0 : i32
    %scan3A_3 = arith.constant 128 : i32
    %scan3A_4 = arith.addi %scan3A_2, %scan3A_3 : i32
    %scan3A_5 = arith.constant 1 : i32
    scf.for %scan3A_24 = %scan3A_2 to %scan3A_4 step %scan3A_5  : i32 {
      %swap3A = arith.index_cast %scan3A_24 : i32 to index
      %swap3A_25 = arith.constant 0 : index
      %swap3A_26 = tpu.vector_load %arg6[%swap3A, %swap3A_25] {strides = array<i32>} : memref<128x128xf32, #tpu.memory_space<vmem>>, vector<1x16xf32>,
      %swap3A_27 = vector.shape_cast %swap3A_26 : vector<1x16xf32> to vector<16xf32>
      %swap3A_28 = vector.shape_cast %broadcast_in_dim3A_1 : vector<16xf32> to vector<1x16xf32>
      tpu.vector_store %arg6[%swap3A, %swap3A_25], %swap3A_28 {strides = array<i32>} : memref<128x128xf32, #tpu.memory_space<vmem>>, vector<1x16xf32>,
      %swap3A_29 = arith.index_cast %scan3A_24 : i32 to index
      %swap3A_30 = arith.constant 16 : index
      %swap3A_31 = tpu.vector_load %arg6[%swap3A_29, %swap3A_30] {strides = array<i32>} : memref<128x128xf32, #tpu.memory_space<vmem>>, vector<1x16xf32>,
      %swap3A_32 = vector.shape_cast %swap3A_31 : vector<1x16xf32> to vector<16xf32>
      %swap3A_33 = vector.shape_cast %broadcast_in_dim3A_1 : vector<16xf32> to vector<1x16xf32>
      tpu.vector_store %arg6[%swap3A_29, %swap3A_30], %swap3A_33 {strides = array<i32>} : memref<128x128xf32, #tpu.memory_space<vmem>>, vector<1x16xf32>,
      %swap3A_34 = arith.index_cast %scan3A_24 : i32 to index
      %swap3A_35 = arith.constant 32 : index
      %swap3A_36 = tpu.vector_load %arg6[%swap3A_34, %swap3A_35] {strides = array<i32>} : memref<128x128xf32, #tpu.memory_space<vmem>>, vector<1x16xf32>,
      %swap3A_37 = vector.shape_cast %swap3A_36 : vector<1x16xf32> to vector<16xf32>
      %swap3A_38 = vector.shape_cast %broadcast_in_dim3A_1 : vector<16xf32> to vector<1x16xf32>
      tpu.vector_store %arg6[%swap3A_34, %swap3A_35], %swap3A_38 {strides = array<i32>} : memref<128x128xf32, #tpu.memory_space<vmem>>, vector<1x16xf32>,
      %swap3A_39 = arith.index_cast %scan3A_24 : i32 to index
      %swap3A_40 = arith.constant 48 : index
      %swap3A_41 = tpu.vector_load %arg6[%swap3A_39, %swap3A_40] {strides = array<i32>} : memref<128x128xf32, #tpu.memory_space<vmem>>, vector<1x16xf32>,
      %swap3A_42 = vector.shape_cast %swap3A_41 : vector<1x16xf32> to vector<16xf32>
      %swap3A_43 = vector.shape_cast %broadcast_in_dim3A_1 : vector<16xf32> to vector<1x16xf32>
      tpu.vector_store %arg6[%swap3A_39, %swap3A_40], %swap3A_43 {strides = array<i32>} : memref<128x128xf32, #tpu.memory_space<vmem>>, vector<1x16xf32>,
      %swap3A_44 = arith.index_cast %scan3A_24 : i32 to index
      %swap3A_45 = arith.constant 64 : index
      %swap3A_46 = tpu.vector_load %arg6[%swap3A_44, %swap3A_45] {strides = array<i32>} : memref<128x128xf32, #tpu.memory_space<vmem>>, vector<1x16xf32>,
      %swap3A_47 = vector.shape_cast %swap3A_46 : vector<1x16xf32> to vector<16xf32>
      %swap3A_48 = vector.shape_cast %broadcast_in_dim3A_1 : vector<16xf32> to vector<1x16xf32>
      tpu.vector_store %arg6[%swap3A_44, %swap3A_45], %swap3A_48 {strides = array<i32>} : memref<128x128xf32, #tpu.memory_space<vmem>>, vector<1x16xf32>,
      %swap3A_49 = arith.index_cast %scan3A_24 : i32 to index
      %swap3A_50 = arith.constant 80 : index
      %swap3A_51 = tpu.vector_load %arg6[%swap3A_49, %swap3A_50] {strides = array<i32>} : memref<128x128xf32, #tpu.memory_space<vmem>>, vector<1x16xf32>,
      %swap3A_52 = vector.shape_cast %swap3A_51 : vector<1x16xf32> to vector<16xf32>
      %swap3A_53 = vector.shape_cast %broadcast_in_dim3A_1 : vector<16xf32> to vector<1x16xf32>
      tpu.vector_store %arg6[%swap3A_49, %swap3A_50], %swap3A_53 {strides = array<i32>} : memref<128x128xf32, #tpu.memory_space<vmem>>, vector<1x16xf32>,
      %swap3A_54 = arith.index_cast %scan3A_24 : i32 to index
      %swap3A_55 = arith.constant 96 : index
      %swap3A_56 = tpu.vector_load %arg6[%swap3A_54, %swap3A_55] {strides = array<i32>} : memref<128x128xf32, #tpu.memory_space<vmem>>, vector<1x16xf32>,
      %swap3A_57 = vector.shape_cast %swap3A_56 : vector<1x16xf32> to vector<16xf32>
      %swap3A_58 = vector.shape_cast %broadcast_in_dim3A_1 : vector<16xf32> to vector<1x16xf32>
      tpu.vector_store %arg6[%swap3A_54, %swap3A_55], %swap3A_58 {strides = array<i32>} : memref<128x128xf32, #tpu.memory_space<vmem>>, vector<1x16xf32>,
      %swap3A_59 = arith.index_cast %scan3A_24 : i32 to index
      %swap3A_60 = arith.constant 112 : index
      %swap3A_61 = tpu.vector_load %arg6[%swap3A_59, %swap3A_60] {strides = array<i32>} : memref<128x128xf32, #tpu.memory_space<vmem>>, vector<1x16xf32>,
      %swap3A_62 = vector.shape_cast %swap3A_61 : vector<1x16xf32> to vector<16xf32>
      %swap3A_63 = vector.shape_cast %broadcast_in_dim3A_1 : vector<16xf32> to vector<1x16xf32>
      tpu.vector_store %arg6[%swap3A_59, %swap3A_60], %swap3A_63 {strides = array<i32>} : memref<128x128xf32, #tpu.memory_space<vmem>>, vector<1x16xf32>,
    }
    %scan3A_6 = arith.constant 128 : i32
    %scan3A_7 = arith.constant 0 : i32
    %scan3A_8 = arith.constant 0 : i32
    %scan3A_9 = arith.constant 5 : i32
    %scan3A_10 = arith.addi %scan3A_8, %scan3A_9 : i32
    %scan3A_11 = arith.constant 1 : i32
    scf.for %scan3A_24 = %scan3A_8 to %scan3A_10 step %scan3A_11  : i32 {
      %mul3A_25 = arith.constant 640 : i32
      %mul3A_26 = arith.muli %arg1, %mul3A_25 : i32
      %mul3A_27 = arith.constant 128 : i32
      %mul3A_28 = arith.muli %scan3A_24, %mul3A_27 : i32
      %add3A_29 = arith.addi %mul3A_26, %mul3A_28 : i32
      "tpu.region"() ({
        %run_scoped3A = tpu.sem_alloc : memref<!tpu.dma_semaphore, #tpu.memory_space<semaphore_mem>>
        %dma_start3A = arith.constant 0 : i32
        %dma_start3A_30 = tpu.memref_slice %arg8[%add3A_29, %dma_start3A] : memref<10240x128xf32, #tpu.memory_space<vmem_shared>> -> memref<128x128xf32, #tpu.memory_space<vmem_shared>>
        %dma_start3A_31 = arith.constant 0 : i32
        %dma_start3A_32 = tpu.memref_slice %arg8[%add3A_29, %dma_start3A_31] : memref<10240x128xf32, #tpu.memory_space<vmem_shared>> -> memref<128x128xf32, #tpu.memory_space<vmem_shared>>
        tpu.enqueue_dma source(%arg6 : memref<128x128xf32, #tpu.memory_space<vmem>>) target(%dma_start3A_32 : memref<128x128xf32, #tpu.memory_space<vmem_shared>>) target_semaphore(%run_scoped3A : memref<!tpu.dma_semaphore, #tpu.memory_space<semaphore_mem>>)
        %dma_wait3A = arith.constant 0 : i32
        %dma_wait3A_33 = tpu.memref_slice %arg8[%add3A_29, %dma_wait3A] : memref<10240x128xf32, #tpu.memory_space<vmem_shared>> -> memref<128x128xf32, #tpu.memory_space<vmem_shared>>
        %dma_wait3A_34 = arith.constant 0 : i32
        %dma_wait3A_35 = tpu.memref_slice %arg8[%add3A_29, %dma_wait3A_34] : memref<10240x128xf32, #tpu.memory_space<vmem_shared>> -> memref<128x128xf32, #tpu.memory_space<vmem_shared>>
        tpu.wait_dma2 semaphore(%run_scoped3A : memref<!tpu.dma_semaphore, #tpu.memory_space<semaphore_mem>>) src(%arg6 : memref<128x128xf32, #tpu.memory_space<vmem>>) dst(%dma_wait3A_35 : memref<128x128xf32, #tpu.memory_space<vmem_shared>>)
        tpu.yield
      }) : () -> ()
    }
    %scan3A_12 = arith.constant 5 : i32
    %barrier3A = arith.constant 0 : index
    tpu.barrier barrier_id(%barrier3A)
    %scan3A_13 = arith.constant 0 : i32
    %scan3A_14 = arith.constant 0 : i32
    %scan3A_15 = arith.constant 20 : i32
    %scan3A_16 = arith.addi %scan3A_14, %scan3A_15 : i32
    %scan3A_17 = arith.constant 1 : i32
    scf.for %scan3A_24 = %scan3A_14 to %scan3A_16 step %scan3A_17  : i32 {
      %mul3A_25 = arith.constant 160 : i32
      %mul3A_26 = arith.muli %add3A, %mul3A_25 : i32
      %mul3A_27 = arith.constant 8 : i32
      %mul3A_28 = arith.muli %scan3A_24, %mul3A_27 : i32
      %add3A_29 = arith.addi %mul3A_26, %mul3A_28 : i32
      "tpu.region"() ({
        %run_scoped3A_87 = tpu.sem_alloc : memref<!tpu.dma_semaphore, #tpu.memory_space<semaphore_mem>>
        %dma_start3A_88 = arith.constant 0 : i32
        %dma_start3A_89 = tpu.memref_slice %arg3[%add3A_29, %dma_start3A_88] : memref<5120x128xi32, #tpu.memory_space<hbm>> -> memref<8x128xi32, #tpu.memory_space<hbm>>
        %dma_start3A_90 = arith.constant 0 : i32
        %dma_start3A_91 = tpu.memref_slice %arg3[%add3A_29, %dma_start3A_90] : memref<5120x128xi32, #tpu.memory_space<hbm>> -> memref<8x128xi32, #tpu.memory_space<hbm>>
        tpu.enqueue_dma source(%dma_start3A_91 : memref<8x128xi32, #tpu.memory_space<hbm>>) target(%arg5 : memref<8x128xi32, #tpu.memory_space<vmem>>) target_semaphore(%run_scoped3A_87 : memref<!tpu.dma_semaphore, #tpu.memory_space<semaphore_mem>>)
        %dma_wait3A_92 = arith.constant 0 : i32
        %dma_wait3A_93 = tpu.memref_slice %arg3[%add3A_29, %dma_wait3A_92] : memref<5120x128xi32, #tpu.memory_space<hbm>> -> memref<8x128xi32, #tpu.memory_space<hbm>>
        %dma_wait3A_94 = arith.constant 0 : i32
        %dma_wait3A_95 = tpu.memref_slice %arg3[%add3A_29, %dma_wait3A_94] : memref<5120x128xi32, #tpu.memory_space<hbm>> -> memref<8x128xi32, #tpu.memory_space<hbm>>
        tpu.wait_dma2 semaphore(%run_scoped3A_87 : memref<!tpu.dma_semaphore, #tpu.memory_space<semaphore_mem>>) src(%dma_wait3A_95 : memref<8x128xi32, #tpu.memory_space<hbm>>) dst(%arg5 : memref<8x128xi32, #tpu.memory_space<vmem>>)
        tpu.yield
      }) : () -> ()
      %dma_start3A = arith.constant 0 : i32
      %dma_start3A_30 = arith.constant 0 : i32
      %dma_start3A_31 = tpu.memref_slice %arg5[%dma_start3A, %dma_start3A_30] : memref<8x128xi32, #tpu.memory_space<vmem>> -> memref<1x128xi32, #tpu.memory_space<vmem>>
      %dma_start3A_32 = tpu.memref_squeeze %dma_start3A_31 : memref<1x128xi32, #tpu.memory_space<vmem>> -> memref<128xi32, #tpu.memory_space<vmem>>
      %dma_start3A_33 = arith.constant 0 : i32
      %dma_start3A_34 = arith.constant 0 : i32
      %dma_start3A_35 = tpu.memref_slice %arg2[%dma_start3A_33, %dma_start3A_34] : memref<10000x128xf32, #tpu.memory_space<hbm>> -> memref<10000x128xf32, #tpu.memory_space<hbm>>
      tpu.enqueue_indirect_dma source(%dma_start3A_35 : memref<10000x128xf32, #tpu.memory_space<hbm>>) target(%arg6 : memref<128x128xf32, #tpu.memory_space<vmem>>) offsets(%dma_start3A_32 : memref<128xi32, #tpu.memory_space<vmem>>) semaphore(%arg9 : memref<!tpu.dma_semaphore, #tpu.memory_space<semaphore_mem>>)
      %dma_start3A_36 = arith.constant 2 : i32
      %dma_start3A_37 = arith.constant 0 : i32
      %dma_start3A_38 = tpu.memref_slice %arg5[%dma_start3A_36, %dma_start3A_37] : memref<8x128xi32, #tpu.memory_space<vmem>> -> memref<1x128xi32, #tpu.memory_space<vmem>>
      %dma_start3A_39 = tpu.memref_squeeze %dma_start3A_38 : memref<1x128xi32, #tpu.memory_space<vmem>> -> memref<128xi32, #tpu.memory_space<vmem>>
      %dma_start3A_40 = arith.constant 0 : i32
      %dma_start3A_41 = arith.constant 0 : i32
      %dma_start3A_42 = tpu.memref_slice %arg2[%dma_start3A_40, %dma_start3A_41] : memref<10000x128xf32, #tpu.memory_space<hbm>> -> memref<10000x128xf32, #tpu.memory_space<hbm>>
      tpu.enqueue_indirect_dma source(%dma_start3A_42 : memref<10000x128xf32, #tpu.memory_space<hbm>>) target(%arg7 : memref<128x128xf32, #tpu.memory_space<vmem>>) offsets(%dma_start3A_39 : memref<128xi32, #tpu.memory_space<vmem>>) semaphore(%arg10 : memref<!tpu.dma_semaphore, #tpu.memory_space<semaphore_mem>>)
      %dma_wait3A = arith.constant 0 : i32
      %dma_wait3A_43 = arith.constant 0 : i32
      %dma_wait3A_44 = tpu.memref_slice %arg5[%dma_wait3A, %dma_wait3A_43] : memref<8x128xi32, #tpu.memory_space<vmem>> -> memref<1x128xi32, #tpu.memory_space<vmem>>
      %dma_wait3A_45 = tpu.memref_squeeze %dma_wait3A_44 : memref<1x128xi32, #tpu.memory_space<vmem>> -> memref<128xi32, #tpu.memory_space<vmem>>
      %dma_wait3A_46 = arith.constant 0 : i32
      %dma_wait3A_47 = arith.constant 0 : i32
      %dma_wait3A_48 = tpu.memref_slice %arg2[%dma_wait3A_46, %dma_wait3A_47] : memref<10000x128xf32, #tpu.memory_space<hbm>> -> memref<10000x128xf32, #tpu.memory_space<hbm>>
      tpu.wait_indirect_dma semaphore(%arg9 : memref<!tpu.dma_semaphore, #tpu.memory_space<semaphore_mem>>) src(%dma_wait3A_48 : memref<10000x128xf32, #tpu.memory_space<hbm>>) dst(%arg6 : memref<128x128xf32, #tpu.memory_space<vmem>>)
      %run_scoped3A = arith.constant 1 : i32
      "tpu.region"() ({
        %run_scoped3A_87 = tpu.sem_alloc : memref<!tpu.dma_semaphore, #tpu.memory_space<semaphore_mem>>
        %dma_start3A_88 = arith.constant 0 : i32
        %dma_start3A_89 = tpu.memref_slice %arg5[%run_scoped3A, %dma_start3A_88] : memref<8x128xi32, #tpu.memory_space<vmem>> -> memref<1x128xi32, #tpu.memory_space<vmem>>
        %dma_start3A_90 = tpu.memref_squeeze %dma_start3A_89 : memref<1x128xi32, #tpu.memory_space<vmem>> -> memref<128xi32, #tpu.memory_space<vmem>>
        %dma_start3A_91 = arith.constant 0 : i32
        %dma_start3A_92 = arith.constant 0 : i32
        %dma_start3A_93 = tpu.memref_slice %arg8[%dma_start3A_91, %dma_start3A_92] : memref<10240x128xf32, #tpu.memory_space<vmem_shared>> -> memref<10240x128xf32, #tpu.memory_space<vmem_shared>>
        tpu.enqueue_indirect_dma source(%arg6 : memref<128x128xf32, #tpu.memory_space<vmem>>) target(%dma_start3A_93 : memref<10240x128xf32, #tpu.memory_space<vmem_shared>>) offsets(%dma_start3A_90 : memref<128xi32, #tpu.memory_space<vmem>>) semaphore(%run_scoped3A_87 : memref<!tpu.dma_semaphore, #tpu.memory_space<semaphore_mem>>) {add = true}
        %dma_wait3A_94 = arith.constant 0 : i32
        %dma_wait3A_95 = tpu.memref_slice %arg5[%run_scoped3A, %dma_wait3A_94] : memref<8x128xi32, #tpu.memory_space<vmem>> -> memref<1x128xi32, #tpu.memory_space<vmem>>
        %dma_wait3A_96 = tpu.memref_squeeze %dma_wait3A_95 : memref<1x128xi32, #tpu.memory_space<vmem>> -> memref<128xi32, #tpu.memory_space<vmem>>
        %dma_wait3A_97 = arith.constant 0 : i32
        %dma_wait3A_98 = arith.constant 0 : i32
        %dma_wait3A_99 = tpu.memref_slice %arg8[%dma_wait3A_97, %dma_wait3A_98] : memref<10240x128xf32, #tpu.memory_space<vmem_shared>> -> memref<10240x128xf32, #tpu.memory_space<vmem_shared>>
        tpu.wait_indirect_dma semaphore(%run_scoped3A_87 : memref<!tpu.dma_semaphore, #tpu.memory_space<semaphore_mem>>) src(%arg6 : memref<128x128xf32, #tpu.memory_space<vmem>>) dst(%dma_wait3A_99 : memref<10240x128xf32, #tpu.memory_space<vmem_shared>>)
        tpu.yield
      }) : () -> ()
      %dma_wait3A_49 = arith.constant 2 : i32
      %dma_wait3A_50 = arith.constant 0 : i32
      %dma_wait3A_51 = tpu.memref_slice %arg5[%dma_wait3A_49, %dma_wait3A_50] : memref<8x128xi32, #tpu.memory_space<vmem>> -> memref<1x128xi32, #tpu.memory_space<vmem>>
      %dma_wait3A_52 = tpu.memref_squeeze %dma_wait3A_51 : memref<1x128xi32, #tpu.memory_space<vmem>> -> memref<128xi32, #tpu.memory_space<vmem>>
      %dma_wait3A_53 = arith.constant 0 : i32
      %dma_wait3A_54 = arith.constant 0 : i32
      %dma_wait3A_55 = tpu.memref_slice %arg2[%dma_wait3A_53, %dma_wait3A_54] : memref<10000x128xf32, #tpu.memory_space<hbm>> -> memref<10000x128xf32, #tpu.memory_space<hbm>>
      tpu.wait_indirect_dma semaphore(%arg10 : memref<!tpu.dma_semaphore, #tpu.memory_space<semaphore_mem>>) src(%dma_wait3A_55 : memref<10000x128xf32, #tpu.memory_space<hbm>>) dst(%arg7 : memref<128x128xf32, #tpu.memory_space<vmem>>)
      %run_scoped3A_56 = arith.constant 3 : i32
      "tpu.region"() ({
        %run_scoped3A_87 = tpu.sem_alloc : memref<!tpu.dma_semaphore, #tpu.memory_space<semaphore_mem>>
        %dma_start3A_88 = arith.constant 0 : i32
        %dma_start3A_89 = tpu.memref_slice %arg5[%run_scoped3A_56, %dma_start3A_88] : memref<8x128xi32, #tpu.memory_space<vmem>> -> memref<1x128xi32, #tpu.memory_space<vmem>>
        %dma_start3A_90 = tpu.memref_squeeze %dma_start3A_89 : memref<1x128xi32, #tpu.memory_space<vmem>> -> memref<128xi32, #tpu.memory_space<vmem>>
        %dma_start3A_91 = arith.constant 0 : i32
        %dma_start3A_92 = arith.constant 0 : i32
        %dma_start3A_93 = tpu.memref_slice %arg8[%dma_start3A_91, %dma_start3A_92] : memref<10240x128xf32, #tpu.memory_space<vmem_shared>> -> memref<10240x128xf32, #tpu.memory_space<vmem_shared>>
        tpu.enqueue_indirect_dma source(%arg7 : memref<128x128xf32, #tpu.memory_space<vmem>>) target(%dma_start3A_93 : memref<10240x128xf32, #tpu.memory_space<vmem_shared>>) offsets(%dma_start3A_90 : memref<128xi32, #tpu.memory_space<vmem>>) semaphore(%run_scoped3A_87 : memref<!tpu.dma_semaphore, #tpu.memory_space<semaphore_mem>>) {add = true}
        %dma_wait3A_94 = arith.constant 0 : i32
        %dma_wait3A_95 = tpu.memref_slice %arg5[%run_scoped3A_56, %dma_wait3A_94] : memref<8x128xi32, #tpu.memory_space<vmem>> -> memref<1x128xi32, #tpu.memory_space<vmem>>
        %dma_wait3A_96 = tpu.memref_squeeze %dma_wait3A_95 : memref<1x128xi32, #tpu.memory_space<vmem>> -> memref<128xi32, #tpu.memory_space<vmem>>
        %dma_wait3A_97 = arith.constant 0 : i32
        %dma_wait3A_98 = arith.constant 0 : i32
        %dma_wait3A_99 = tpu.memref_slice %arg8[%dma_wait3A_97, %dma_wait3A_98] : memref<10240x128xf32, #tpu.memory_space<vmem_shared>> -> memref<10240x128xf32, #tpu.memory_space<vmem_shared>>
        tpu.wait_indirect_dma semaphore(%run_scoped3A_87 : memref<!tpu.dma_semaphore, #tpu.memory_space<semaphore_mem>>) src(%arg7 : memref<128x128xf32, #tpu.memory_space<vmem>>) dst(%dma_wait3A_99 : memref<10240x128xf32, #tpu.memory_space<vmem_shared>>)
        tpu.yield
      }) : () -> ()
      %dma_start3A_57 = arith.constant 4 : i32
      %dma_start3A_58 = arith.constant 0 : i32
      %dma_start3A_59 = tpu.memref_slice %arg5[%dma_start3A_57, %dma_start3A_58] : memref<8x128xi32, #tpu.memory_space<vmem>> -> memref<1x128xi32, #tpu.memory_space<vmem>>
      %dma_start3A_60 = tpu.memref_squeeze %dma_start3A_59 : memref<1x128xi32, #tpu.memory_space<vmem>> -> memref<128xi32, #tpu.memory_space<vmem>>
      %dma_start3A_61 = arith.constant 0 : i32
      %dma_start3A_62 = arith.constant 0 : i32
      %dma_start3A_63 = tpu.memref_slice %arg2[%dma_start3A_61, %dma_start3A_62] : memref<10000x128xf32, #tpu.memory_space<hbm>> -> memref<10000x128xf32, #tpu.memory_space<hbm>>
      tpu.enqueue_indirect_dma source(%dma_start3A_63 : memref<10000x128xf32, #tpu.memory_space<hbm>>) target(%arg6 : memref<128x128xf32, #tpu.memory_space<vmem>>) offsets(%dma_start3A_60 : memref<128xi32, #tpu.memory_space<vmem>>) semaphore(%arg9 : memref<!tpu.dma_semaphore, #tpu.memory_space<semaphore_mem>>)
      %dma_start3A_64 = arith.constant 6 : i32
      %dma_start3A_65 = arith.constant 0 : i32
      %dma_start3A_66 = tpu.memref_slice %arg5[%dma_start3A_64, %dma_start3A_65] : memref<8x128xi32, #tpu.memory_space<vmem>> -> memref<1x128xi32, #tpu.memory_space<vmem>>
      %dma_start3A_67 = tpu.memref_squeeze %dma_start3A_66 : memref<1x128xi32, #tpu.memory_space<vmem>> -> memref<128xi32, #tpu.memory_space<vmem>>
      %dma_start3A_68 = arith.constant 0 : i32
      %dma_start3A_69 = arith.constant 0 : i32
      %dma_start3A_70 = tpu.memref_slice %arg2[%dma_start3A_68, %dma_start3A_69] : memref<10000x128xf32, #tpu.memory_space<hbm>> -> memref<10000x128xf32, #tpu.memory_space<hbm>>
      tpu.enqueue_indirect_dma source(%dma_start3A_70 : memref<10000x128xf32, #tpu.memory_space<hbm>>) target(%arg7 : memref<128x128xf32, #tpu.memory_space<vmem>>) offsets(%dma_start3A_67 : memref<128xi32, #tpu.memory_space<vmem>>) semaphore(%arg10 : memref<!tpu.dma_semaphore, #tpu.memory_space<semaphore_mem>>)
      %dma_wait3A_71 = arith.constant 4 : i32
      %dma_wait3A_72 = arith.constant 0 : i32
      %dma_wait3A_73 = tpu.memref_slice %arg5[%dma_wait3A_71, %dma_wait3A_72] : memref<8x128xi32, #tpu.memory_space<vmem>> -> memref<1x128xi32, #tpu.memory_space<vmem>>
      %dma_wait3A_74 = tpu.memref_squeeze %dma_wait3A_73 : memref<1x128xi32, #tpu.memory_space<vmem>> -> memref<128xi32, #tpu.memory_space<vmem>>
      %dma_wait3A_75 = arith.constant 0 : i32
      %dma_wait3A_76 = arith.constant 0 : i32
      %dma_wait3A_77 = tpu.memref_slice %arg2[%dma_wait3A_75, %dma_wait3A_76] : memref<10000x128xf32, #tpu.memory_space<hbm>> -> memref<10000x128xf32, #tpu.memory_space<hbm>>
      tpu.wait_indirect_dma semaphore(%arg9 : memref<!tpu.dma_semaphore, #tpu.memory_space<semaphore_mem>>) src(%dma_wait3A_77 : memref<10000x128xf32, #tpu.memory_space<hbm>>) dst(%arg6 : memref<128x128xf32, #tpu.memory_space<vmem>>)
      %run_scoped3A_78 = arith.constant 5 : i32
      "tpu.region"() ({
        %run_scoped3A_87 = tpu.sem_alloc : memref<!tpu.dma_semaphore, #tpu.memory_space<semaphore_mem>>
        %dma_start3A_88 = arith.constant 0 : i32
        %dma_start3A_89 = tpu.memref_slice %arg5[%run_scoped3A_78, %dma_start3A_88] : memref<8x128xi32, #tpu.memory_space<vmem>> -> memref<1x128xi32, #tpu.memory_space<vmem>>
        %dma_start3A_90 = tpu.memref_squeeze %dma_start3A_89 : memref<1x128xi32, #tpu.memory_space<vmem>> -> memref<128xi32, #tpu.memory_space<vmem>>
        %dma_start3A_91 = arith.constant 0 : i32
        %dma_start3A_92 = arith.constant 0 : i32
        %dma_start3A_93 = tpu.memref_slice %arg8[%dma_start3A_91, %dma_start3A_92] : memref<10240x128xf32, #tpu.memory_space<vmem_shared>> -> memref<10240x128xf32, #tpu.memory_space<vmem_shared>>
        tpu.enqueue_indirect_dma source(%arg6 : memref<128x128xf32, #tpu.memory_space<vmem>>) target(%dma_start3A_93 : memref<10240x128xf32, #tpu.memory_space<vmem_shared>>) offsets(%dma_start3A_90 : memref<128xi32, #tpu.memory_space<vmem>>) semaphore(%run_scoped3A_87 : memref<!tpu.dma_semaphore, #tpu.memory_space<semaphore_mem>>) {add = true}
        %dma_wait3A_94 = arith.constant 0 : i32
        %dma_wait3A_95 = tpu.memref_slice %arg5[%run_scoped3A_78, %dma_wait3A_94] : memref<8x128xi32, #tpu.memory_space<vmem>> -> memref<1x128xi32, #tpu.memory_space<vmem>>
        %dma_wait3A_96 = tpu.memref_squeeze %dma_wait3A_95 : memref<1x128xi32, #tpu.memory_space<vmem>> -> memref<128xi32, #tpu.memory_space<vmem>>
        %dma_wait3A_97 = arith.constant 0 : i32
        %dma_wait3A_98 = arith.constant 0 : i32
        %dma_wait3A_99 = tpu.memref_slice %arg8[%dma_wait3A_97, %dma_wait3A_98] : memref<10240x128xf32, #tpu.memory_space<vmem_shared>> -> memref<10240x128xf32, #tpu.memory_space<vmem_shared>>
        tpu.wait_indirect_dma semaphore(%run_scoped3A_87 : memref<!tpu.dma_semaphore, #tpu.memory_space<semaphore_mem>>) src(%arg6 : memref<128x128xf32, #tpu.memory_space<vmem>>) dst(%dma_wait3A_99 : memref<10240x128xf32, #tpu.memory_space<vmem_shared>>)
        tpu.yield
      }) : () -> ()
      %dma_wait3A_79 = arith.constant 6 : i32
      %dma_wait3A_80 = arith.constant 0 : i32
      %dma_wait3A_81 = tpu.memref_slice %arg5[%dma_wait3A_79, %dma_wait3A_80] : memref<8x128xi32, #tpu.memory_space<vmem>> -> memref<1x128xi32, #tpu.memory_space<vmem>>
      %dma_wait3A_82 = tpu.memref_squeeze %dma_wait3A_81 : memref<1x128xi32, #tpu.memory_space<vmem>> -> memref<128xi32, #tpu.memory_space<vmem>>
      %dma_wait3A_83 = arith.constant 0 : i32
      %dma_wait3A_84 = arith.constant 0 : i32
      %dma_wait3A_85 = tpu.memref_slice %arg2[%dma_wait3A_83, %dma_wait3A_84] : memref<10000x128xf32, #tpu.memory_space<hbm>> -> memref<10000x128xf32, #tpu.memory_space<hbm>>
      tpu.wait_indirect_dma semaphore(%arg10 : memref<!tpu.dma_semaphore, #tpu.memory_space<semaphore_mem>>) src(%dma_wait3A_85 : memref<10000x128xf32, #tpu.memory_space<hbm>>) dst(%arg7 : memref<128x128xf32, #tpu.memory_space<vmem>>)
      %run_scoped3A_86 = arith.constant 7 : i32
      "tpu.region"() ({
        %run_scoped3A_87 = tpu.sem_alloc : memref<!tpu.dma_semaphore, #tpu.memory_space<semaphore_mem>>
        %dma_start3A_88 = arith.constant 0 : i32
        %dma_start3A_89 = tpu.memref_slice %arg5[%run_scoped3A_86, %dma_start3A_88] : memref<8x128xi32, #tpu.memory_space<vmem>> -> memref<1x128xi32, #tpu.memory_space<vmem>>
        %dma_start3A_90 = tpu.memref_squeeze %dma_start3A_89 : memref<1x128xi32, #tpu.memory_space<vmem>> -> memref<128xi32, #tpu.memory_space<vmem>>
        %dma_start3A_91 = arith.constant 0 : i32
        %dma_start3A_92 = arith.constant 0 : i32
        %dma_start3A_93 = tpu.memref_slice %arg8[%dma_start3A_91, %dma_start3A_92] : memref<10240x128xf32, #tpu.memory_space<vmem_shared>> -> memref<10240x128xf32, #tpu.memory_space<vmem_shared>>
        tpu.enqueue_indirect_dma source(%arg7 : memref<128x128xf32, #tpu.memory_space<vmem>>) target(%dma_start3A_93 : memref<10240x128xf32, #tpu.memory_space<vmem_shared>>) offsets(%dma_start3A_90 : memref<128xi32, #tpu.memory_space<vmem>>) semaphore(%run_scoped3A_87 : memref<!tpu.dma_semaphore, #tpu.memory_space<semaphore_mem>>) {add = true}
        %dma_wait3A_94 = arith.constant 0 : i32
        %dma_wait3A_95 = tpu.memref_slice %arg5[%run_scoped3A_86, %dma_wait3A_94] : memref<8x128xi32, #tpu.memory_space<vmem>> -> memref<1x128xi32, #tpu.memory_space<vmem>>
        %dma_wait3A_96 = tpu.memref_squeeze %dma_wait3A_95 : memref<1x128xi32, #tpu.memory_space<vmem>> -> memref<128xi32, #tpu.memory_space<vmem>>
        %dma_wait3A_97 = arith.constant 0 : i32
        %dma_wait3A_98 = arith.constant 0 : i32
        %dma_wait3A_99 = tpu.memref_slice %arg8[%dma_wait3A_97, %dma_wait3A_98] : memref<10240x128xf32, #tpu.memory_space<vmem_shared>> -> memref<10240x128xf32, #tpu.memory_space<vmem_shared>>
        tpu.wait_indirect_dma semaphore(%run_scoped3A_87 : memref<!tpu.dma_semaphore, #tpu.memory_space<semaphore_mem>>) src(%arg7 : memref<128x128xf32, #tpu.memory_space<vmem>>) dst(%dma_wait3A_99 : memref<10240x128xf32, #tpu.memory_space<vmem_shared>>)
        tpu.yield
      }) : () -> ()
    }
    %scan3A_18 = arith.constant 20 : i32
    %barrier3A_19 = arith.constant 0 : index
    tpu.barrier barrier_id(%barrier3A_19)
    %mul3A_20 = arith.constant 640 : i32
    %mul3A_21 = arith.muli %arg1, %mul3A_20 : i32
    %mul3A_22 = arith.constant 640 : i32
    %mul3A_23 = arith.muli %arg1, %mul3A_22 : i32
    "tpu.region"() ({
      %run_scoped3A = tpu.sem_alloc : memref<!tpu.dma_semaphore, #tpu.memory_space<semaphore_mem>>
      %dma_start3A = arith.constant 0 : i32
      %dma_start3A_24 = tpu.memref_slice %arg4[%arg0, %mul3A_23, %dma_start3A] : memref<2x10240x128xf32, #tpu.memory_space<hbm>> -> memref<1x640x128xf32, #tpu.memory_space<hbm>>
      %dma_start3A_25 = tpu.memref_squeeze %dma_start3A_24 : memref<1x640x128xf32, #tpu.memory_space<hbm>> -> memref<640x128xf32, #tpu.memory_space<hbm>>
      %dma_start3A_26 = arith.constant 0 : i32
      %dma_start3A_27 = tpu.memref_slice %arg8[%mul3A_21, %dma_start3A_26] : memref<10240x128xf32, #tpu.memory_space<vmem_shared>> -> memref<640x128xf32, #tpu.memory_space<vmem_shared>>
      tpu.enqueue_dma source(%dma_start3A_27 : memref<640x128xf32, #tpu.memory_space<vmem_shared>>) target(%dma_start3A_25 : memref<640x128xf32, #tpu.memory_space<hbm>>) target_semaphore(%run_scoped3A : memref<!tpu.dma_semaphore, #tpu.memory_space<semaphore_mem>>)
      %dma_wait3A = arith.constant 0 : i32
      %dma_wait3A_28 = tpu.memref_slice %arg4[%arg0, %mul3A_23, %dma_wait3A] : memref<2x10240x128xf32, #tpu.memory_space<hbm>> -> memref<1x640x128xf32, #tpu.memory_space<hbm>>
      %dma_wait3A_29 = tpu.memref_squeeze %dma_wait3A_28 : memref<1x640x128xf32, #tpu.memory_space<hbm>> -> memref<640x128xf32, #tpu.memory_space<hbm>>
      %dma_wait3A_30 = arith.constant 0 : i32
      %dma_wait3A_31 = tpu.memref_slice %arg8[%mul3A_21, %dma_wait3A_30] : memref<10240x128xf32, #tpu.memory_space<vmem_shared>> -> memref<640x128xf32, #tpu.memory_space<vmem_shared>>
      tpu.wait_dma2 semaphore(%run_scoped3A : memref<!tpu.dma_semaphore, #tpu.memory_space<semaphore_mem>>) src(%dma_wait3A_31 : memref<640x128xf32, #tpu.memory_space<vmem_shared>>) dst(%dma_wait3A_29 : memref<640x128xf32, #tpu.memory_space<hbm>>)
      tpu.yield
    }) : () -> ()
    return
  }
}

#map = affine_map<(d0, d1) -> (0, 0)>
#map1 = affine_map<(d0, d1) -> (0, 0, 0)>
module attributes {stable_mosaic.version = 14 : i64} {
  func.func @sage_agg_cnt(%arg0: i32, %arg1: i32, %arg2: memref<10000x128xf32, #tpu.memory_space<hbm>>, %arg3: memref<5120x128xi32, #tpu.memory_space<hbm>>, %arg4: memref<2x10240x128xf32, #tpu.memory_space<hbm>>, %arg5: memref<2x10240x128xf32, #tpu.memory_space<hbm>>, %arg6: memref<8x128xi32, #tpu.memory_space<vmem>>, %arg7: memref<128x128xf32, #tpu.memory_space<vmem>>, %arg8: memref<128x128xf32, #tpu.memory_space<vmem>>, %arg9: memref<10240x128xf32, #tpu.memory_space<vmem_shared>>, %arg10: memref<!tpu.dma_semaphore, #tpu.memory_space<semaphore_mem>>, %arg11: memref<!tpu.dma_semaphore, #tpu.memory_space<semaphore_mem>>) attributes {dimension_semantics = [#tpu.dimension_semantics<core_parallel>, #tpu.dimension_semantics<subcore_parallel>], iteration_bounds = array<i64: 2, 16>, scalar_prefetch = 0 : i64, scratch_operands = 6 : i64, tpu.core_type = #tpu.core_type<sc_vector_subcore>, window_params = [{transform_indices = #map}, {transform_indices = #map}, {transform_indices = #map1}, {transform_indices = #map1}]} {
    %mul3A = arith.constant 16 : i32
    %mul3A_0 = arith.muli %arg0, %mul3A : i32
    %add3A = arith.addi %mul3A_0, %arg1 : i32
    %broadcast_in_dim3A = arith.constant 0.000000e+00 : f32
    %broadcast_in_dim3A_1 = vector.broadcast %broadcast_in_dim3A : f32 to vector<16xf32>
    %scan3A = arith.constant 0 : i32
    %scan3A_2 = arith.constant 0 : i32
    %scan3A_3 = arith.constant 128 : i32
    %scan3A_4 = arith.addi %scan3A_2, %scan3A_3 : i32
    %scan3A_5 = arith.constant 1 : i32
    scf.for %scan3A_58 = %scan3A_2 to %scan3A_4 step %scan3A_5  : i32 {
      %swap3A = arith.index_cast %scan3A_58 : i32 to index
      %swap3A_59 = arith.constant 0 : index
      %swap3A_60 = tpu.vector_load %arg7[%swap3A, %swap3A_59] {strides = array<i32>} : memref<128x128xf32, #tpu.memory_space<vmem>>, vector<1x16xf32>,
      %swap3A_61 = vector.shape_cast %swap3A_60 : vector<1x16xf32> to vector<16xf32>
      %swap3A_62 = vector.shape_cast %broadcast_in_dim3A_1 : vector<16xf32> to vector<1x16xf32>
      tpu.vector_store %arg7[%swap3A, %swap3A_59], %swap3A_62 {strides = array<i32>} : memref<128x128xf32, #tpu.memory_space<vmem>>, vector<1x16xf32>,
      %swap3A_63 = arith.index_cast %scan3A_58 : i32 to index
      %swap3A_64 = arith.constant 16 : index
      %swap3A_65 = tpu.vector_load %arg7[%swap3A_63, %swap3A_64] {strides = array<i32>} : memref<128x128xf32, #tpu.memory_space<vmem>>, vector<1x16xf32>,
      %swap3A_66 = vector.shape_cast %swap3A_65 : vector<1x16xf32> to vector<16xf32>
      %swap3A_67 = vector.shape_cast %broadcast_in_dim3A_1 : vector<16xf32> to vector<1x16xf32>
      tpu.vector_store %arg7[%swap3A_63, %swap3A_64], %swap3A_67 {strides = array<i32>} : memref<128x128xf32, #tpu.memory_space<vmem>>, vector<1x16xf32>,
      %swap3A_68 = arith.index_cast %scan3A_58 : i32 to index
      %swap3A_69 = arith.constant 32 : index
      %swap3A_70 = tpu.vector_load %arg7[%swap3A_68, %swap3A_69] {strides = array<i32>} : memref<128x128xf32, #tpu.memory_space<vmem>>, vector<1x16xf32>,
      %swap3A_71 = vector.shape_cast %swap3A_70 : vector<1x16xf32> to vector<16xf32>
      %swap3A_72 = vector.shape_cast %broadcast_in_dim3A_1 : vector<16xf32> to vector<1x16xf32>
      tpu.vector_store %arg7[%swap3A_68, %swap3A_69], %swap3A_72 {strides = array<i32>} : memref<128x128xf32, #tpu.memory_space<vmem>>, vector<1x16xf32>,
      %swap3A_73 = arith.index_cast %scan3A_58 : i32 to index
      %swap3A_74 = arith.constant 48 : index
      %swap3A_75 = tpu.vector_load %arg7[%swap3A_73, %swap3A_74] {strides = array<i32>} : memref<128x128xf32, #tpu.memory_space<vmem>>, vector<1x16xf32>,
      %swap3A_76 = vector.shape_cast %swap3A_75 : vector<1x16xf32> to vector<16xf32>
      %swap3A_77 = vector.shape_cast %broadcast_in_dim3A_1 : vector<16xf32> to vector<1x16xf32>
      tpu.vector_store %arg7[%swap3A_73, %swap3A_74], %swap3A_77 {strides = array<i32>} : memref<128x128xf32, #tpu.memory_space<vmem>>, vector<1x16xf32>,
      %swap3A_78 = arith.index_cast %scan3A_58 : i32 to index
      %swap3A_79 = arith.constant 64 : index
      %swap3A_80 = tpu.vector_load %arg7[%swap3A_78, %swap3A_79] {strides = array<i32>} : memref<128x128xf32, #tpu.memory_space<vmem>>, vector<1x16xf32>,
      %swap3A_81 = vector.shape_cast %swap3A_80 : vector<1x16xf32> to vector<16xf32>
      %swap3A_82 = vector.shape_cast %broadcast_in_dim3A_1 : vector<16xf32> to vector<1x16xf32>
      tpu.vector_store %arg7[%swap3A_78, %swap3A_79], %swap3A_82 {strides = array<i32>} : memref<128x128xf32, #tpu.memory_space<vmem>>, vector<1x16xf32>,
      %swap3A_83 = arith.index_cast %scan3A_58 : i32 to index
      %swap3A_84 = arith.constant 80 : index
      %swap3A_85 = tpu.vector_load %arg7[%swap3A_83, %swap3A_84] {strides = array<i32>} : memref<128x128xf32, #tpu.memory_space<vmem>>, vector<1x16xf32>,
      %swap3A_86 = vector.shape_cast %swap3A_85 : vector<1x16xf32> to vector<16xf32>
      %swap3A_87 = vector.shape_cast %broadcast_in_dim3A_1 : vector<16xf32> to vector<1x16xf32>
      tpu.vector_store %arg7[%swap3A_83, %swap3A_84], %swap3A_87 {strides = array<i32>} : memref<128x128xf32, #tpu.memory_space<vmem>>, vector<1x16xf32>,
      %swap3A_88 = arith.index_cast %scan3A_58 : i32 to index
      %swap3A_89 = arith.constant 96 : index
      %swap3A_90 = tpu.vector_load %arg7[%swap3A_88, %swap3A_89] {strides = array<i32>} : memref<128x128xf32, #tpu.memory_space<vmem>>, vector<1x16xf32>,
      %swap3A_91 = vector.shape_cast %swap3A_90 : vector<1x16xf32> to vector<16xf32>
      %swap3A_92 = vector.shape_cast %broadcast_in_dim3A_1 : vector<16xf32> to vector<1x16xf32>
      tpu.vector_store %arg7[%swap3A_88, %swap3A_89], %swap3A_92 {strides = array<i32>} : memref<128x128xf32, #tpu.memory_space<vmem>>, vector<1x16xf32>,
      %swap3A_93 = arith.index_cast %scan3A_58 : i32 to index
      %swap3A_94 = arith.constant 112 : index
      %swap3A_95 = tpu.vector_load %arg7[%swap3A_93, %swap3A_94] {strides = array<i32>} : memref<128x128xf32, #tpu.memory_space<vmem>>, vector<1x16xf32>,
      %swap3A_96 = vector.shape_cast %swap3A_95 : vector<1x16xf32> to vector<16xf32>
      %swap3A_97 = vector.shape_cast %broadcast_in_dim3A_1 : vector<16xf32> to vector<1x16xf32>
      tpu.vector_store %arg7[%swap3A_93, %swap3A_94], %swap3A_97 {strides = array<i32>} : memref<128x128xf32, #tpu.memory_space<vmem>>, vector<1x16xf32>,
    }
    %scan3A_6 = arith.constant 128 : i32
    %scan3A_7 = arith.constant 0 : i32
    %scan3A_8 = arith.constant 0 : i32
    %scan3A_9 = arith.constant 5 : i32
    %scan3A_10 = arith.addi %scan3A_8, %scan3A_9 : i32
    %scan3A_11 = arith.constant 1 : i32
    scf.for %scan3A_58 = %scan3A_8 to %scan3A_10 step %scan3A_11  : i32 {
      %mul3A_59 = arith.constant 640 : i32
      %mul3A_60 = arith.muli %arg1, %mul3A_59 : i32
      %mul3A_61 = arith.constant 128 : i32
      %mul3A_62 = arith.muli %scan3A_58, %mul3A_61 : i32
      %add3A_63 = arith.addi %mul3A_60, %mul3A_62 : i32
      "tpu.region"() ({
        %run_scoped3A = tpu.sem_alloc : memref<!tpu.dma_semaphore, #tpu.memory_space<semaphore_mem>>
        %dma_start3A = arith.constant 0 : i32
        %dma_start3A_64 = tpu.memref_slice %arg9[%add3A_63, %dma_start3A] : memref<10240x128xf32, #tpu.memory_space<vmem_shared>> -> memref<128x128xf32, #tpu.memory_space<vmem_shared>>
        %dma_start3A_65 = arith.constant 0 : i32
        %dma_start3A_66 = tpu.memref_slice %arg9[%add3A_63, %dma_start3A_65] : memref<10240x128xf32, #tpu.memory_space<vmem_shared>> -> memref<128x128xf32, #tpu.memory_space<vmem_shared>>
        tpu.enqueue_dma source(%arg7 : memref<128x128xf32, #tpu.memory_space<vmem>>) target(%dma_start3A_66 : memref<128x128xf32, #tpu.memory_space<vmem_shared>>) target_semaphore(%run_scoped3A : memref<!tpu.dma_semaphore, #tpu.memory_space<semaphore_mem>>)
        %dma_wait3A = arith.constant 0 : i32
        %dma_wait3A_67 = tpu.memref_slice %arg9[%add3A_63, %dma_wait3A] : memref<10240x128xf32, #tpu.memory_space<vmem_shared>> -> memref<128x128xf32, #tpu.memory_space<vmem_shared>>
        %dma_wait3A_68 = arith.constant 0 : i32
        %dma_wait3A_69 = tpu.memref_slice %arg9[%add3A_63, %dma_wait3A_68] : memref<10240x128xf32, #tpu.memory_space<vmem_shared>> -> memref<128x128xf32, #tpu.memory_space<vmem_shared>>
        tpu.wait_dma2 semaphore(%run_scoped3A : memref<!tpu.dma_semaphore, #tpu.memory_space<semaphore_mem>>) src(%arg7 : memref<128x128xf32, #tpu.memory_space<vmem>>) dst(%dma_wait3A_69 : memref<128x128xf32, #tpu.memory_space<vmem_shared>>)
        tpu.yield
      }) : () -> ()
    }
    %scan3A_12 = arith.constant 5 : i32
    %broadcast_in_dim3A_13 = arith.constant 1.000000e+00 : f32
    %broadcast_in_dim3A_14 = vector.broadcast %broadcast_in_dim3A_13 : f32 to vector<16xf32>
    %scan3A_15 = arith.constant 0 : i32
    %scan3A_16 = arith.constant 0 : i32
    %scan3A_17 = arith.constant 128 : i32
    %scan3A_18 = arith.addi %scan3A_16, %scan3A_17 : i32
    %scan3A_19 = arith.constant 1 : i32
    scf.for %scan3A_58 = %scan3A_16 to %scan3A_18 step %scan3A_19  : i32 {
      %swap3A = arith.index_cast %scan3A_58 : i32 to index
      %swap3A_59 = arith.constant 0 : index
      %swap3A_60 = tpu.vector_load %arg7[%swap3A, %swap3A_59] {strides = array<i32>} : memref<128x128xf32, #tpu.memory_space<vmem>>, vector<1x16xf32>,
      %swap3A_61 = vector.shape_cast %swap3A_60 : vector<1x16xf32> to vector<16xf32>
      %swap3A_62 = vector.shape_cast %broadcast_in_dim3A_14 : vector<16xf32> to vector<1x16xf32>
      tpu.vector_store %arg7[%swap3A, %swap3A_59], %swap3A_62 {strides = array<i32>} : memref<128x128xf32, #tpu.memory_space<vmem>>, vector<1x16xf32>,
      %swap3A_63 = arith.index_cast %scan3A_58 : i32 to index
      %swap3A_64 = arith.constant 16 : index
      %swap3A_65 = tpu.vector_load %arg7[%swap3A_63, %swap3A_64] {strides = array<i32>} : memref<128x128xf32, #tpu.memory_space<vmem>>, vector<1x16xf32>,
      %swap3A_66 = vector.shape_cast %swap3A_65 : vector<1x16xf32> to vector<16xf32>
      %swap3A_67 = vector.shape_cast %broadcast_in_dim3A_14 : vector<16xf32> to vector<1x16xf32>
      tpu.vector_store %arg7[%swap3A_63, %swap3A_64], %swap3A_67 {strides = array<i32>} : memref<128x128xf32, #tpu.memory_space<vmem>>, vector<1x16xf32>,
      %swap3A_68 = arith.index_cast %scan3A_58 : i32 to index
      %swap3A_69 = arith.constant 32 : index
      %swap3A_70 = tpu.vector_load %arg7[%swap3A_68, %swap3A_69] {strides = array<i32>} : memref<128x128xf32, #tpu.memory_space<vmem>>, vector<1x16xf32>,
      %swap3A_71 = vector.shape_cast %swap3A_70 : vector<1x16xf32> to vector<16xf32>
      %swap3A_72 = vector.shape_cast %broadcast_in_dim3A_14 : vector<16xf32> to vector<1x16xf32>
      tpu.vector_store %arg7[%swap3A_68, %swap3A_69], %swap3A_72 {strides = array<i32>} : memref<128x128xf32, #tpu.memory_space<vmem>>, vector<1x16xf32>,
      %swap3A_73 = arith.index_cast %scan3A_58 : i32 to index
      %swap3A_74 = arith.constant 48 : index
      %swap3A_75 = tpu.vector_load %arg7[%swap3A_73, %swap3A_74] {strides = array<i32>} : memref<128x128xf32, #tpu.memory_space<vmem>>, vector<1x16xf32>,
      %swap3A_76 = vector.shape_cast %swap3A_75 : vector<1x16xf32> to vector<16xf32>
      %swap3A_77 = vector.shape_cast %broadcast_in_dim3A_14 : vector<16xf32> to vector<1x16xf32>
      tpu.vector_store %arg7[%swap3A_73, %swap3A_74], %swap3A_77 {strides = array<i32>} : memref<128x128xf32, #tpu.memory_space<vmem>>, vector<1x16xf32>,
      %swap3A_78 = arith.index_cast %scan3A_58 : i32 to index
      %swap3A_79 = arith.constant 64 : index
      %swap3A_80 = tpu.vector_load %arg7[%swap3A_78, %swap3A_79] {strides = array<i32>} : memref<128x128xf32, #tpu.memory_space<vmem>>, vector<1x16xf32>,
      %swap3A_81 = vector.shape_cast %swap3A_80 : vector<1x16xf32> to vector<16xf32>
      %swap3A_82 = vector.shape_cast %broadcast_in_dim3A_14 : vector<16xf32> to vector<1x16xf32>
      tpu.vector_store %arg7[%swap3A_78, %swap3A_79], %swap3A_82 {strides = array<i32>} : memref<128x128xf32, #tpu.memory_space<vmem>>, vector<1x16xf32>,
      %swap3A_83 = arith.index_cast %scan3A_58 : i32 to index
      %swap3A_84 = arith.constant 80 : index
      %swap3A_85 = tpu.vector_load %arg7[%swap3A_83, %swap3A_84] {strides = array<i32>} : memref<128x128xf32, #tpu.memory_space<vmem>>, vector<1x16xf32>,
      %swap3A_86 = vector.shape_cast %swap3A_85 : vector<1x16xf32> to vector<16xf32>
      %swap3A_87 = vector.shape_cast %broadcast_in_dim3A_14 : vector<16xf32> to vector<1x16xf32>
      tpu.vector_store %arg7[%swap3A_83, %swap3A_84], %swap3A_87 {strides = array<i32>} : memref<128x128xf32, #tpu.memory_space<vmem>>, vector<1x16xf32>,
      %swap3A_88 = arith.index_cast %scan3A_58 : i32 to index
      %swap3A_89 = arith.constant 96 : index
      %swap3A_90 = tpu.vector_load %arg7[%swap3A_88, %swap3A_89] {strides = array<i32>} : memref<128x128xf32, #tpu.memory_space<vmem>>, vector<1x16xf32>,
      %swap3A_91 = vector.shape_cast %swap3A_90 : vector<1x16xf32> to vector<16xf32>
      %swap3A_92 = vector.shape_cast %broadcast_in_dim3A_14 : vector<16xf32> to vector<1x16xf32>
      tpu.vector_store %arg7[%swap3A_88, %swap3A_89], %swap3A_92 {strides = array<i32>} : memref<128x128xf32, #tpu.memory_space<vmem>>, vector<1x16xf32>,
      %swap3A_93 = arith.index_cast %scan3A_58 : i32 to index
      %swap3A_94 = arith.constant 112 : index
      %swap3A_95 = tpu.vector_load %arg7[%swap3A_93, %swap3A_94] {strides = array<i32>} : memref<128x128xf32, #tpu.memory_space<vmem>>, vector<1x16xf32>,
      %swap3A_96 = vector.shape_cast %swap3A_95 : vector<1x16xf32> to vector<16xf32>
      %swap3A_97 = vector.shape_cast %broadcast_in_dim3A_14 : vector<16xf32> to vector<1x16xf32>
      tpu.vector_store %arg7[%swap3A_93, %swap3A_94], %swap3A_97 {strides = array<i32>} : memref<128x128xf32, #tpu.memory_space<vmem>>, vector<1x16xf32>,
    }
    %scan3A_20 = arith.constant 128 : i32
    %barrier3A = arith.constant 0 : index
    tpu.barrier barrier_id(%barrier3A)
    %scan3A_21 = arith.constant 0 : i32
    %scan3A_22 = arith.constant 0 : i32
    %scan3A_23 = arith.constant 20 : i32
    %scan3A_24 = arith.addi %scan3A_22, %scan3A_23 : i32
    %scan3A_25 = arith.constant 1 : i32
    scf.for %scan3A_58 = %scan3A_22 to %scan3A_24 step %scan3A_25  : i32 {
      %mul3A_59 = arith.constant 160 : i32
      %mul3A_60 = arith.muli %add3A, %mul3A_59 : i32
      %mul3A_61 = arith.constant 8 : i32
      %mul3A_62 = arith.muli %scan3A_58, %mul3A_61 : i32
      %add3A_63 = arith.addi %mul3A_60, %mul3A_62 : i32
      "tpu.region"() ({
        %run_scoped3A_67 = tpu.sem_alloc : memref<!tpu.dma_semaphore, #tpu.memory_space<semaphore_mem>>
        %dma_start3A = arith.constant 0 : i32
        %dma_start3A_68 = tpu.memref_slice %arg3[%add3A_63, %dma_start3A] : memref<5120x128xi32, #tpu.memory_space<hbm>> -> memref<8x128xi32, #tpu.memory_space<hbm>>
        %dma_start3A_69 = arith.constant 0 : i32
        %dma_start3A_70 = tpu.memref_slice %arg3[%add3A_63, %dma_start3A_69] : memref<5120x128xi32, #tpu.memory_space<hbm>> -> memref<8x128xi32, #tpu.memory_space<hbm>>
        tpu.enqueue_dma source(%dma_start3A_70 : memref<8x128xi32, #tpu.memory_space<hbm>>) target(%arg6 : memref<8x128xi32, #tpu.memory_space<vmem>>) target_semaphore(%run_scoped3A_67 : memref<!tpu.dma_semaphore, #tpu.memory_space<semaphore_mem>>)
        %dma_wait3A = arith.constant 0 : i32
        %dma_wait3A_71 = tpu.memref_slice %arg3[%add3A_63, %dma_wait3A] : memref<5120x128xi32, #tpu.memory_space<hbm>> -> memref<8x128xi32, #tpu.memory_space<hbm>>
        %dma_wait3A_72 = arith.constant 0 : i32
        %dma_wait3A_73 = tpu.memref_slice %arg3[%add3A_63, %dma_wait3A_72] : memref<5120x128xi32, #tpu.memory_space<hbm>> -> memref<8x128xi32, #tpu.memory_space<hbm>>
        tpu.wait_dma2 semaphore(%run_scoped3A_67 : memref<!tpu.dma_semaphore, #tpu.memory_space<semaphore_mem>>) src(%dma_wait3A_73 : memref<8x128xi32, #tpu.memory_space<hbm>>) dst(%arg6 : memref<8x128xi32, #tpu.memory_space<vmem>>)
        tpu.yield
      }) : () -> ()
      %run_scoped3A = arith.constant 1 : i32
      "tpu.region"() ({
        %run_scoped3A_67 = tpu.sem_alloc : memref<!tpu.dma_semaphore, #tpu.memory_space<semaphore_mem>>
        %dma_start3A = arith.constant 0 : i32
        %dma_start3A_68 = tpu.memref_slice %arg6[%run_scoped3A, %dma_start3A] : memref<8x128xi32, #tpu.memory_space<vmem>> -> memref<1x128xi32, #tpu.memory_space<vmem>>
        %dma_start3A_69 = tpu.memref_squeeze %dma_start3A_68 : memref<1x128xi32, #tpu.memory_space<vmem>> -> memref<128xi32, #tpu.memory_space<vmem>>
        %dma_start3A_70 = arith.constant 0 : i32
        %dma_start3A_71 = arith.constant 0 : i32
        %dma_start3A_72 = tpu.memref_slice %arg9[%dma_start3A_70, %dma_start3A_71] : memref<10240x128xf32, #tpu.memory_space<vmem_shared>> -> memref<10240x128xf32, #tpu.memory_space<vmem_shared>>
        tpu.enqueue_indirect_dma source(%arg7 : memref<128x128xf32, #tpu.memory_space<vmem>>) target(%dma_start3A_72 : memref<10240x128xf32, #tpu.memory_space<vmem_shared>>) offsets(%dma_start3A_69 : memref<128xi32, #tpu.memory_space<vmem>>) semaphore(%run_scoped3A_67 : memref<!tpu.dma_semaphore, #tpu.memory_space<semaphore_mem>>) {add = true}
        %dma_wait3A = arith.constant 0 : i32
        %dma_wait3A_73 = tpu.memref_slice %arg6[%run_scoped3A, %dma_wait3A] : memref<8x128xi32, #tpu.memory_space<vmem>> -> memref<1x128xi32, #tpu.memory_space<vmem>>
        %dma_wait3A_74 = tpu.memref_squeeze %dma_wait3A_73 : memref<1x128xi32, #tpu.memory_space<vmem>> -> memref<128xi32, #tpu.memory_space<vmem>>
        %dma_wait3A_75 = arith.constant 0 : i32
        %dma_wait3A_76 = arith.constant 0 : i32
        %dma_wait3A_77 = tpu.memref_slice %arg9[%dma_wait3A_75, %dma_wait3A_76] : memref<10240x128xf32, #tpu.memory_space<vmem_shared>> -> memref<10240x128xf32, #tpu.memory_space<vmem_shared>>
        tpu.wait_indirect_dma semaphore(%run_scoped3A_67 : memref<!tpu.dma_semaphore, #tpu.memory_space<semaphore_mem>>) src(%arg7 : memref<128x128xf32, #tpu.memory_space<vmem>>) dst(%dma_wait3A_77 : memref<10240x128xf32, #tpu.memory_space<vmem_shared>>)
        tpu.yield
      }) : () -> ()
      %run_scoped3A_64 = arith.constant 3 : i32
      "tpu.region"() ({
        %run_scoped3A_67 = tpu.sem_alloc : memref<!tpu.dma_semaphore, #tpu.memory_space<semaphore_mem>>
        %dma_start3A = arith.constant 0 : i32
        %dma_start3A_68 = tpu.memref_slice %arg6[%run_scoped3A_64, %dma_start3A] : memref<8x128xi32, #tpu.memory_space<vmem>> -> memref<1x128xi32, #tpu.memory_space<vmem>>
        %dma_start3A_69 = tpu.memref_squeeze %dma_start3A_68 : memref<1x128xi32, #tpu.memory_space<vmem>> -> memref<128xi32, #tpu.memory_space<vmem>>
        %dma_start3A_70 = arith.constant 0 : i32
        %dma_start3A_71 = arith.constant 0 : i32
        %dma_start3A_72 = tpu.memref_slice %arg9[%dma_start3A_70, %dma_start3A_71] : memref<10240x128xf32, #tpu.memory_space<vmem_shared>> -> memref<10240x128xf32, #tpu.memory_space<vmem_shared>>
        tpu.enqueue_indirect_dma source(%arg7 : memref<128x128xf32, #tpu.memory_space<vmem>>) target(%dma_start3A_72 : memref<10240x128xf32, #tpu.memory_space<vmem_shared>>) offsets(%dma_start3A_69 : memref<128xi32, #tpu.memory_space<vmem>>) semaphore(%run_scoped3A_67 : memref<!tpu.dma_semaphore, #tpu.memory_space<semaphore_mem>>) {add = true}
        %dma_wait3A = arith.constant 0 : i32
        %dma_wait3A_73 = tpu.memref_slice %arg6[%run_scoped3A_64, %dma_wait3A] : memref<8x128xi32, #tpu.memory_space<vmem>> -> memref<1x128xi32, #tpu.memory_space<vmem>>
        %dma_wait3A_74 = tpu.memref_squeeze %dma_wait3A_73 : memref<1x128xi32, #tpu.memory_space<vmem>> -> memref<128xi32, #tpu.memory_space<vmem>>
        %dma_wait3A_75 = arith.constant 0 : i32
        %dma_wait3A_76 = arith.constant 0 : i32
        %dma_wait3A_77 = tpu.memref_slice %arg9[%dma_wait3A_75, %dma_wait3A_76] : memref<10240x128xf32, #tpu.memory_space<vmem_shared>> -> memref<10240x128xf32, #tpu.memory_space<vmem_shared>>
        tpu.wait_indirect_dma semaphore(%run_scoped3A_67 : memref<!tpu.dma_semaphore, #tpu.memory_space<semaphore_mem>>) src(%arg7 : memref<128x128xf32, #tpu.memory_space<vmem>>) dst(%dma_wait3A_77 : memref<10240x128xf32, #tpu.memory_space<vmem_shared>>)
        tpu.yield
      }) : () -> ()
      %run_scoped3A_65 = arith.constant 5 : i32
      "tpu.region"() ({
        %run_scoped3A_67 = tpu.sem_alloc : memref<!tpu.dma_semaphore, #tpu.memory_space<semaphore_mem>>
        %dma_start3A = arith.constant 0 : i32
        %dma_start3A_68 = tpu.memref_slice %arg6[%run_scoped3A_65, %dma_start3A] : memref<8x128xi32, #tpu.memory_space<vmem>> -> memref<1x128xi32, #tpu.memory_space<vmem>>
        %dma_start3A_69 = tpu.memref_squeeze %dma_start3A_68 : memref<1x128xi32, #tpu.memory_space<vmem>> -> memref<128xi32, #tpu.memory_space<vmem>>
        %dma_start3A_70 = arith.constant 0 : i32
        %dma_start3A_71 = arith.constant 0 : i32
        %dma_start3A_72 = tpu.memref_slice %arg9[%dma_start3A_70, %dma_start3A_71] : memref<10240x128xf32, #tpu.memory_space<vmem_shared>> -> memref<10240x128xf32, #tpu.memory_space<vmem_shared>>
        tpu.enqueue_indirect_dma source(%arg7 : memref<128x128xf32, #tpu.memory_space<vmem>>) target(%dma_start3A_72 : memref<10240x128xf32, #tpu.memory_space<vmem_shared>>) offsets(%dma_start3A_69 : memref<128xi32, #tpu.memory_space<vmem>>) semaphore(%run_scoped3A_67 : memref<!tpu.dma_semaphore, #tpu.memory_space<semaphore_mem>>) {add = true}
        %dma_wait3A = arith.constant 0 : i32
        %dma_wait3A_73 = tpu.memref_slice %arg6[%run_scoped3A_65, %dma_wait3A] : memref<8x128xi32, #tpu.memory_space<vmem>> -> memref<1x128xi32, #tpu.memory_space<vmem>>
        %dma_wait3A_74 = tpu.memref_squeeze %dma_wait3A_73 : memref<1x128xi32, #tpu.memory_space<vmem>> -> memref<128xi32, #tpu.memory_space<vmem>>
        %dma_wait3A_75 = arith.constant 0 : i32
        %dma_wait3A_76 = arith.constant 0 : i32
        %dma_wait3A_77 = tpu.memref_slice %arg9[%dma_wait3A_75, %dma_wait3A_76] : memref<10240x128xf32, #tpu.memory_space<vmem_shared>> -> memref<10240x128xf32, #tpu.memory_space<vmem_shared>>
        tpu.wait_indirect_dma semaphore(%run_scoped3A_67 : memref<!tpu.dma_semaphore, #tpu.memory_space<semaphore_mem>>) src(%arg7 : memref<128x128xf32, #tpu.memory_space<vmem>>) dst(%dma_wait3A_77 : memref<10240x128xf32, #tpu.memory_space<vmem_shared>>)
        tpu.yield
      }) : () -> ()
      %run_scoped3A_66 = arith.constant 7 : i32
      "tpu.region"() ({
        %run_scoped3A_67 = tpu.sem_alloc : memref<!tpu.dma_semaphore, #tpu.memory_space<semaphore_mem>>
        %dma_start3A = arith.constant 0 : i32
        %dma_start3A_68 = tpu.memref_slice %arg6[%run_scoped3A_66, %dma_start3A] : memref<8x128xi32, #tpu.memory_space<vmem>> -> memref<1x128xi32, #tpu.memory_space<vmem>>
        %dma_start3A_69 = tpu.memref_squeeze %dma_start3A_68 : memref<1x128xi32, #tpu.memory_space<vmem>> -> memref<128xi32, #tpu.memory_space<vmem>>
        %dma_start3A_70 = arith.constant 0 : i32
        %dma_start3A_71 = arith.constant 0 : i32
        %dma_start3A_72 = tpu.memref_slice %arg9[%dma_start3A_70, %dma_start3A_71] : memref<10240x128xf32, #tpu.memory_space<vmem_shared>> -> memref<10240x128xf32, #tpu.memory_space<vmem_shared>>
        tpu.enqueue_indirect_dma source(%arg7 : memref<128x128xf32, #tpu.memory_space<vmem>>) target(%dma_start3A_72 : memref<10240x128xf32, #tpu.memory_space<vmem_shared>>) offsets(%dma_start3A_69 : memref<128xi32, #tpu.memory_space<vmem>>) semaphore(%run_scoped3A_67 : memref<!tpu.dma_semaphore, #tpu.memory_space<semaphore_mem>>) {add = true}
        %dma_wait3A = arith.constant 0 : i32
        %dma_wait3A_73 = tpu.memref_slice %arg6[%run_scoped3A_66, %dma_wait3A] : memref<8x128xi32, #tpu.memory_space<vmem>> -> memref<1x128xi32, #tpu.memory_space<vmem>>
        %dma_wait3A_74 = tpu.memref_squeeze %dma_wait3A_73 : memref<1x128xi32, #tpu.memory_space<vmem>> -> memref<128xi32, #tpu.memory_space<vmem>>
        %dma_wait3A_75 = arith.constant 0 : i32
        %dma_wait3A_76 = arith.constant 0 : i32
        %dma_wait3A_77 = tpu.memref_slice %arg9[%dma_wait3A_75, %dma_wait3A_76] : memref<10240x128xf32, #tpu.memory_space<vmem_shared>> -> memref<10240x128xf32, #tpu.memory_space<vmem_shared>>
        tpu.wait_indirect_dma semaphore(%run_scoped3A_67 : memref<!tpu.dma_semaphore, #tpu.memory_space<semaphore_mem>>) src(%arg7 : memref<128x128xf32, #tpu.memory_space<vmem>>) dst(%dma_wait3A_77 : memref<10240x128xf32, #tpu.memory_space<vmem_shared>>)
        tpu.yield
      }) : () -> ()
    }
    %scan3A_26 = arith.constant 20 : i32
    %barrier3A_27 = arith.constant 0 : index
    tpu.barrier barrier_id(%barrier3A_27)
    %mul3A_28 = arith.constant 640 : i32
    %mul3A_29 = arith.muli %arg1, %mul3A_28 : i32
    %mul3A_30 = arith.constant 640 : i32
    %mul3A_31 = arith.muli %arg1, %mul3A_30 : i32
    "tpu.region"() ({
      %run_scoped3A = tpu.sem_alloc : memref<!tpu.dma_semaphore, #tpu.memory_space<semaphore_mem>>
      %dma_start3A = arith.constant 0 : i32
      %dma_start3A_58 = tpu.memref_slice %arg5[%arg0, %mul3A_31, %dma_start3A] : memref<2x10240x128xf32, #tpu.memory_space<hbm>> -> memref<1x640x128xf32, #tpu.memory_space<hbm>>
      %dma_start3A_59 = tpu.memref_squeeze %dma_start3A_58 : memref<1x640x128xf32, #tpu.memory_space<hbm>> -> memref<640x128xf32, #tpu.memory_space<hbm>>
      %dma_start3A_60 = arith.constant 0 : i32
      %dma_start3A_61 = tpu.memref_slice %arg9[%mul3A_29, %dma_start3A_60] : memref<10240x128xf32, #tpu.memory_space<vmem_shared>> -> memref<640x128xf32, #tpu.memory_space<vmem_shared>>
      tpu.enqueue_dma source(%dma_start3A_61 : memref<640x128xf32, #tpu.memory_space<vmem_shared>>) target(%dma_start3A_59 : memref<640x128xf32, #tpu.memory_space<hbm>>) target_semaphore(%run_scoped3A : memref<!tpu.dma_semaphore, #tpu.memory_space<semaphore_mem>>)
      %dma_wait3A = arith.constant 0 : i32
      %dma_wait3A_62 = tpu.memref_slice %arg5[%arg0, %mul3A_31, %dma_wait3A] : memref<2x10240x128xf32, #tpu.memory_space<hbm>> -> memref<1x640x128xf32, #tpu.memory_space<hbm>>
      %dma_wait3A_63 = tpu.memref_squeeze %dma_wait3A_62 : memref<1x640x128xf32, #tpu.memory_space<hbm>> -> memref<640x128xf32, #tpu.memory_space<hbm>>
      %dma_wait3A_64 = arith.constant 0 : i32
      %dma_wait3A_65 = tpu.memref_slice %arg9[%mul3A_29, %dma_wait3A_64] : memref<10240x128xf32, #tpu.memory_space<vmem_shared>> -> memref<640x128xf32, #tpu.memory_space<vmem_shared>>
      tpu.wait_dma2 semaphore(%run_scoped3A : memref<!tpu.dma_semaphore, #tpu.memory_space<semaphore_mem>>) src(%dma_wait3A_65 : memref<640x128xf32, #tpu.memory_space<vmem_shared>>) dst(%dma_wait3A_63 : memref<640x128xf32, #tpu.memory_space<hbm>>)
      tpu.yield
    }) : () -> ()
    %broadcast_in_dim3A_32 = arith.constant 0.000000e+00 : f32
    %broadcast_in_dim3A_33 = vector.broadcast %broadcast_in_dim3A_32 : f32 to vector<16xf32>
    %scan3A_34 = arith.constant 0 : i32
    %scan3A_35 = arith.constant 0 : i32
    %scan3A_36 = arith.constant 128 : i32
    %scan3A_37 = arith.addi %scan3A_35, %scan3A_36 : i32
    %scan3A_38 = arith.constant 1 : i32
    scf.for %scan3A_58 = %scan3A_35 to %scan3A_37 step %scan3A_38  : i32 {
      %swap3A = arith.index_cast %scan3A_58 : i32 to index
      %swap3A_59 = arith.constant 0 : index
      %swap3A_60 = tpu.vector_load %arg7[%swap3A, %swap3A_59] {strides = array<i32>} : memref<128x128xf32, #tpu.memory_space<vmem>>, vector<1x16xf32>,
      %swap3A_61 = vector.shape_cast %swap3A_60 : vector<1x16xf32> to vector<16xf32>
      %swap3A_62 = vector.shape_cast %broadcast_in_dim3A_33 : vector<16xf32> to vector<1x16xf32>
      tpu.vector_store %arg7[%swap3A, %swap3A_59], %swap3A_62 {strides = array<i32>} : memref<128x128xf32, #tpu.memory_space<vmem>>, vector<1x16xf32>,
      %swap3A_63 = arith.index_cast %scan3A_58 : i32 to index
      %swap3A_64 = arith.constant 16 : index
      %swap3A_65 = tpu.vector_load %arg7[%swap3A_63, %swap3A_64] {strides = array<i32>} : memref<128x128xf32, #tpu.memory_space<vmem>>, vector<1x16xf32>,
      %swap3A_66 = vector.shape_cast %swap3A_65 : vector<1x16xf32> to vector<16xf32>
      %swap3A_67 = vector.shape_cast %broadcast_in_dim3A_33 : vector<16xf32> to vector<1x16xf32>
      tpu.vector_store %arg7[%swap3A_63, %swap3A_64], %swap3A_67 {strides = array<i32>} : memref<128x128xf32, #tpu.memory_space<vmem>>, vector<1x16xf32>,
      %swap3A_68 = arith.index_cast %scan3A_58 : i32 to index
      %swap3A_69 = arith.constant 32 : index
      %swap3A_70 = tpu.vector_load %arg7[%swap3A_68, %swap3A_69] {strides = array<i32>} : memref<128x128xf32, #tpu.memory_space<vmem>>, vector<1x16xf32>,
      %swap3A_71 = vector.shape_cast %swap3A_70 : vector<1x16xf32> to vector<16xf32>
      %swap3A_72 = vector.shape_cast %broadcast_in_dim3A_33 : vector<16xf32> to vector<1x16xf32>
      tpu.vector_store %arg7[%swap3A_68, %swap3A_69], %swap3A_72 {strides = array<i32>} : memref<128x128xf32, #tpu.memory_space<vmem>>, vector<1x16xf32>,
      %swap3A_73 = arith.index_cast %scan3A_58 : i32 to index
      %swap3A_74 = arith.constant 48 : index
      %swap3A_75 = tpu.vector_load %arg7[%swap3A_73, %swap3A_74] {strides = array<i32>} : memref<128x128xf32, #tpu.memory_space<vmem>>, vector<1x16xf32>,
      %swap3A_76 = vector.shape_cast %swap3A_75 : vector<1x16xf32> to vector<16xf32>
      %swap3A_77 = vector.shape_cast %broadcast_in_dim3A_33 : vector<16xf32> to vector<1x16xf32>
      tpu.vector_store %arg7[%swap3A_73, %swap3A_74], %swap3A_77 {strides = array<i32>} : memref<128x128xf32, #tpu.memory_space<vmem>>, vector<1x16xf32>,
      %swap3A_78 = arith.index_cast %scan3A_58 : i32 to index
      %swap3A_79 = arith.constant 64 : index
      %swap3A_80 = tpu.vector_load %arg7[%swap3A_78, %swap3A_79] {strides = array<i32>} : memref<128x128xf32, #tpu.memory_space<vmem>>, vector<1x16xf32>,
      %swap3A_81 = vector.shape_cast %swap3A_80 : vector<1x16xf32> to vector<16xf32>
      %swap3A_82 = vector.shape_cast %broadcast_in_dim3A_33 : vector<16xf32> to vector<1x16xf32>
      tpu.vector_store %arg7[%swap3A_78, %swap3A_79], %swap3A_82 {strides = array<i32>} : memref<128x128xf32, #tpu.memory_space<vmem>>, vector<1x16xf32>,
      %swap3A_83 = arith.index_cast %scan3A_58 : i32 to index
      %swap3A_84 = arith.constant 80 : index
      %swap3A_85 = tpu.vector_load %arg7[%swap3A_83, %swap3A_84] {strides = array<i32>} : memref<128x128xf32, #tpu.memory_space<vmem>>, vector<1x16xf32>,
      %swap3A_86 = vector.shape_cast %swap3A_85 : vector<1x16xf32> to vector<16xf32>
      %swap3A_87 = vector.shape_cast %broadcast_in_dim3A_33 : vector<16xf32> to vector<1x16xf32>
      tpu.vector_store %arg7[%swap3A_83, %swap3A_84], %swap3A_87 {strides = array<i32>} : memref<128x128xf32, #tpu.memory_space<vmem>>, vector<1x16xf32>,
      %swap3A_88 = arith.index_cast %scan3A_58 : i32 to index
      %swap3A_89 = arith.constant 96 : index
      %swap3A_90 = tpu.vector_load %arg7[%swap3A_88, %swap3A_89] {strides = array<i32>} : memref<128x128xf32, #tpu.memory_space<vmem>>, vector<1x16xf32>,
      %swap3A_91 = vector.shape_cast %swap3A_90 : vector<1x16xf32> to vector<16xf32>
      %swap3A_92 = vector.shape_cast %broadcast_in_dim3A_33 : vector<16xf32> to vector<1x16xf32>
      tpu.vector_store %arg7[%swap3A_88, %swap3A_89], %swap3A_92 {strides = array<i32>} : memref<128x128xf32, #tpu.memory_space<vmem>>, vector<1x16xf32>,
      %swap3A_93 = arith.index_cast %scan3A_58 : i32 to index
      %swap3A_94 = arith.constant 112 : index
      %swap3A_95 = tpu.vector_load %arg7[%swap3A_93, %swap3A_94] {strides = array<i32>} : memref<128x128xf32, #tpu.memory_space<vmem>>, vector<1x16xf32>,
      %swap3A_96 = vector.shape_cast %swap3A_95 : vector<1x16xf32> to vector<16xf32>
      %swap3A_97 = vector.shape_cast %broadcast_in_dim3A_33 : vector<16xf32> to vector<1x16xf32>
      tpu.vector_store %arg7[%swap3A_93, %swap3A_94], %swap3A_97 {strides = array<i32>} : memref<128x128xf32, #tpu.memory_space<vmem>>, vector<1x16xf32>,
    }
    %scan3A_39 = arith.constant 128 : i32
    %scan3A_40 = arith.constant 0 : i32
    %scan3A_41 = arith.constant 0 : i32
    %scan3A_42 = arith.constant 5 : i32
    %scan3A_43 = arith.addi %scan3A_41, %scan3A_42 : i32
    %scan3A_44 = arith.constant 1 : i32
    scf.for %scan3A_58 = %scan3A_41 to %scan3A_43 step %scan3A_44  : i32 {
      %mul3A_59 = arith.constant 640 : i32
      %mul3A_60 = arith.muli %arg1, %mul3A_59 : i32
      %mul3A_61 = arith.constant 128 : i32
      %mul3A_62 = arith.muli %scan3A_58, %mul3A_61 : i32
      %add3A_63 = arith.addi %mul3A_60, %mul3A_62 : i32
      "tpu.region"() ({
        %run_scoped3A = tpu.sem_alloc : memref<!tpu.dma_semaphore, #tpu.memory_space<semaphore_mem>>
        %dma_start3A = arith.constant 0 : i32
        %dma_start3A_64 = tpu.memref_slice %arg9[%add3A_63, %dma_start3A] : memref<10240x128xf32, #tpu.memory_space<vmem_shared>> -> memref<128x128xf32, #tpu.memory_space<vmem_shared>>
        %dma_start3A_65 = arith.constant 0 : i32
        %dma_start3A_66 = tpu.memref_slice %arg9[%add3A_63, %dma_start3A_65] : memref<10240x128xf32, #tpu.memory_space<vmem_shared>> -> memref<128x128xf32, #tpu.memory_space<vmem_shared>>
        tpu.enqueue_dma source(%arg7 : memref<128x128xf32, #tpu.memory_space<vmem>>) target(%dma_start3A_66 : memref<128x128xf32, #tpu.memory_space<vmem_shared>>) target_semaphore(%run_scoped3A : memref<!tpu.dma_semaphore, #tpu.memory_space<semaphore_mem>>)
        %dma_wait3A = arith.constant 0 : i32
        %dma_wait3A_67 = tpu.memref_slice %arg9[%add3A_63, %dma_wait3A] : memref<10240x128xf32, #tpu.memory_space<vmem_shared>> -> memref<128x128xf32, #tpu.memory_space<vmem_shared>>
        %dma_wait3A_68 = arith.constant 0 : i32
        %dma_wait3A_69 = tpu.memref_slice %arg9[%add3A_63, %dma_wait3A_68] : memref<10240x128xf32, #tpu.memory_space<vmem_shared>> -> memref<128x128xf32, #tpu.memory_space<vmem_shared>>
        tpu.wait_dma2 semaphore(%run_scoped3A : memref<!tpu.dma_semaphore, #tpu.memory_space<semaphore_mem>>) src(%arg7 : memref<128x128xf32, #tpu.memory_space<vmem>>) dst(%dma_wait3A_69 : memref<128x128xf32, #tpu.memory_space<vmem_shared>>)
        tpu.yield
      }) : () -> ()
    }
    %scan3A_45 = arith.constant 5 : i32
    %barrier3A_46 = arith.constant 0 : index
    tpu.barrier barrier_id(%barrier3A_46)
    %scan3A_47 = arith.constant 0 : i32
    %scan3A_48 = arith.constant 0 : i32
    %scan3A_49 = arith.constant 20 : i32
    %scan3A_50 = arith.addi %scan3A_48, %scan3A_49 : i32
    %scan3A_51 = arith.constant 1 : i32
    scf.for %scan3A_58 = %scan3A_48 to %scan3A_50 step %scan3A_51  : i32 {
      %mul3A_59 = arith.constant 160 : i32
      %mul3A_60 = arith.muli %add3A, %mul3A_59 : i32
      %mul3A_61 = arith.constant 8 : i32
      %mul3A_62 = arith.muli %scan3A_58, %mul3A_61 : i32
      %add3A_63 = arith.addi %mul3A_60, %mul3A_62 : i32
      "tpu.region"() ({
        %run_scoped3A_121 = tpu.sem_alloc : memref<!tpu.dma_semaphore, #tpu.memory_space<semaphore_mem>>
        %dma_start3A_122 = arith.constant 0 : i32
        %dma_start3A_123 = tpu.memref_slice %arg3[%add3A_63, %dma_start3A_122] : memref<5120x128xi32, #tpu.memory_space<hbm>> -> memref<8x128xi32, #tpu.memory_space<hbm>>
        %dma_start3A_124 = arith.constant 0 : i32
        %dma_start3A_125 = tpu.memref_slice %arg3[%add3A_63, %dma_start3A_124] : memref<5120x128xi32, #tpu.memory_space<hbm>> -> memref<8x128xi32, #tpu.memory_space<hbm>>
        tpu.enqueue_dma source(%dma_start3A_125 : memref<8x128xi32, #tpu.memory_space<hbm>>) target(%arg6 : memref<8x128xi32, #tpu.memory_space<vmem>>) target_semaphore(%run_scoped3A_121 : memref<!tpu.dma_semaphore, #tpu.memory_space<semaphore_mem>>)
        %dma_wait3A_126 = arith.constant 0 : i32
        %dma_wait3A_127 = tpu.memref_slice %arg3[%add3A_63, %dma_wait3A_126] : memref<5120x128xi32, #tpu.memory_space<hbm>> -> memref<8x128xi32, #tpu.memory_space<hbm>>
        %dma_wait3A_128 = arith.constant 0 : i32
        %dma_wait3A_129 = tpu.memref_slice %arg3[%add3A_63, %dma_wait3A_128] : memref<5120x128xi32, #tpu.memory_space<hbm>> -> memref<8x128xi32, #tpu.memory_space<hbm>>
        tpu.wait_dma2 semaphore(%run_scoped3A_121 : memref<!tpu.dma_semaphore, #tpu.memory_space<semaphore_mem>>) src(%dma_wait3A_129 : memref<8x128xi32, #tpu.memory_space<hbm>>) dst(%arg6 : memref<8x128xi32, #tpu.memory_space<vmem>>)
        tpu.yield
      }) : () -> ()
      %dma_start3A = arith.constant 0 : i32
      %dma_start3A_64 = arith.constant 0 : i32
      %dma_start3A_65 = tpu.memref_slice %arg6[%dma_start3A, %dma_start3A_64] : memref<8x128xi32, #tpu.memory_space<vmem>> -> memref<1x128xi32, #tpu.memory_space<vmem>>
      %dma_start3A_66 = tpu.memref_squeeze %dma_start3A_65 : memref<1x128xi32, #tpu.memory_space<vmem>> -> memref<128xi32, #tpu.memory_space<vmem>>
      %dma_start3A_67 = arith.constant 0 : i32
      %dma_start3A_68 = arith.constant 0 : i32
      %dma_start3A_69 = tpu.memref_slice %arg2[%dma_start3A_67, %dma_start3A_68] : memref<10000x128xf32, #tpu.memory_space<hbm>> -> memref<10000x128xf32, #tpu.memory_space<hbm>>
      tpu.enqueue_indirect_dma source(%dma_start3A_69 : memref<10000x128xf32, #tpu.memory_space<hbm>>) target(%arg7 : memref<128x128xf32, #tpu.memory_space<vmem>>) offsets(%dma_start3A_66 : memref<128xi32, #tpu.memory_space<vmem>>) semaphore(%arg10 : memref<!tpu.dma_semaphore, #tpu.memory_space<semaphore_mem>>)
      %dma_start3A_70 = arith.constant 2 : i32
      %dma_start3A_71 = arith.constant 0 : i32
      %dma_start3A_72 = tpu.memref_slice %arg6[%dma_start3A_70, %dma_start3A_71] : memref<8x128xi32, #tpu.memory_space<vmem>> -> memref<1x128xi32, #tpu.memory_space<vmem>>
      %dma_start3A_73 = tpu.memref_squeeze %dma_start3A_72 : memref<1x128xi32, #tpu.memory_space<vmem>> -> memref<128xi32, #tpu.memory_space<vmem>>
      %dma_start3A_74 = arith.constant 0 : i32
      %dma_start3A_75 = arith.constant 0 : i32
      %dma_start3A_76 = tpu.memref_slice %arg2[%dma_start3A_74, %dma_start3A_75] : memref<10000x128xf32, #tpu.memory_space<hbm>> -> memref<10000x128xf32, #tpu.memory_space<hbm>>
      tpu.enqueue_indirect_dma source(%dma_start3A_76 : memref<10000x128xf32, #tpu.memory_space<hbm>>) target(%arg8 : memref<128x128xf32, #tpu.memory_space<vmem>>) offsets(%dma_start3A_73 : memref<128xi32, #tpu.memory_space<vmem>>) semaphore(%arg11 : memref<!tpu.dma_semaphore, #tpu.memory_space<semaphore_mem>>)
      %dma_wait3A = arith.constant 0 : i32
      %dma_wait3A_77 = arith.constant 0 : i32
      %dma_wait3A_78 = tpu.memref_slice %arg6[%dma_wait3A, %dma_wait3A_77] : memref<8x128xi32, #tpu.memory_space<vmem>> -> memref<1x128xi32, #tpu.memory_space<vmem>>
      %dma_wait3A_79 = tpu.memref_squeeze %dma_wait3A_78 : memref<1x128xi32, #tpu.memory_space<vmem>> -> memref<128xi32, #tpu.memory_space<vmem>>
      %dma_wait3A_80 = arith.constant 0 : i32
      %dma_wait3A_81 = arith.constant 0 : i32
      %dma_wait3A_82 = tpu.memref_slice %arg2[%dma_wait3A_80, %dma_wait3A_81] : memref<10000x128xf32, #tpu.memory_space<hbm>> -> memref<10000x128xf32, #tpu.memory_space<hbm>>
      tpu.wait_indirect_dma semaphore(%arg10 : memref<!tpu.dma_semaphore, #tpu.memory_space<semaphore_mem>>) src(%dma_wait3A_82 : memref<10000x128xf32, #tpu.memory_space<hbm>>) dst(%arg7 : memref<128x128xf32, #tpu.memory_space<vmem>>)
      %run_scoped3A = arith.constant 1 : i32
      "tpu.region"() ({
        %run_scoped3A_121 = tpu.sem_alloc : memref<!tpu.dma_semaphore, #tpu.memory_space<semaphore_mem>>
        %dma_start3A_122 = arith.constant 0 : i32
        %dma_start3A_123 = tpu.memref_slice %arg6[%run_scoped3A, %dma_start3A_122] : memref<8x128xi32, #tpu.memory_space<vmem>> -> memref<1x128xi32, #tpu.memory_space<vmem>>
        %dma_start3A_124 = tpu.memref_squeeze %dma_start3A_123 : memref<1x128xi32, #tpu.memory_space<vmem>> -> memref<128xi32, #tpu.memory_space<vmem>>
        %dma_start3A_125 = arith.constant 0 : i32
        %dma_start3A_126 = arith.constant 0 : i32
        %dma_start3A_127 = tpu.memref_slice %arg9[%dma_start3A_125, %dma_start3A_126] : memref<10240x128xf32, #tpu.memory_space<vmem_shared>> -> memref<10240x128xf32, #tpu.memory_space<vmem_shared>>
        tpu.enqueue_indirect_dma source(%arg7 : memref<128x128xf32, #tpu.memory_space<vmem>>) target(%dma_start3A_127 : memref<10240x128xf32, #tpu.memory_space<vmem_shared>>) offsets(%dma_start3A_124 : memref<128xi32, #tpu.memory_space<vmem>>) semaphore(%run_scoped3A_121 : memref<!tpu.dma_semaphore, #tpu.memory_space<semaphore_mem>>) {add = true}
        %dma_wait3A_128 = arith.constant 0 : i32
        %dma_wait3A_129 = tpu.memref_slice %arg6[%run_scoped3A, %dma_wait3A_128] : memref<8x128xi32, #tpu.memory_space<vmem>> -> memref<1x128xi32, #tpu.memory_space<vmem>>
        %dma_wait3A_130 = tpu.memref_squeeze %dma_wait3A_129 : memref<1x128xi32, #tpu.memory_space<vmem>> -> memref<128xi32, #tpu.memory_space<vmem>>
        %dma_wait3A_131 = arith.constant 0 : i32
        %dma_wait3A_132 = arith.constant 0 : i32
        %dma_wait3A_133 = tpu.memref_slice %arg9[%dma_wait3A_131, %dma_wait3A_132] : memref<10240x128xf32, #tpu.memory_space<vmem_shared>> -> memref<10240x128xf32, #tpu.memory_space<vmem_shared>>
        tpu.wait_indirect_dma semaphore(%run_scoped3A_121 : memref<!tpu.dma_semaphore, #tpu.memory_space<semaphore_mem>>) src(%arg7 : memref<128x128xf32, #tpu.memory_space<vmem>>) dst(%dma_wait3A_133 : memref<10240x128xf32, #tpu.memory_space<vmem_shared>>)
        tpu.yield
      }) : () -> ()
      %dma_wait3A_83 = arith.constant 2 : i32
      %dma_wait3A_84 = arith.constant 0 : i32
      %dma_wait3A_85 = tpu.memref_slice %arg6[%dma_wait3A_83, %dma_wait3A_84] : memref<8x128xi32, #tpu.memory_space<vmem>> -> memref<1x128xi32, #tpu.memory_space<vmem>>
      %dma_wait3A_86 = tpu.memref_squeeze %dma_wait3A_85 : memref<1x128xi32, #tpu.memory_space<vmem>> -> memref<128xi32, #tpu.memory_space<vmem>>
      %dma_wait3A_87 = arith.constant 0 : i32
      %dma_wait3A_88 = arith.constant 0 : i32
      %dma_wait3A_89 = tpu.memref_slice %arg2[%dma_wait3A_87, %dma_wait3A_88] : memref<10000x128xf32, #tpu.memory_space<hbm>> -> memref<10000x128xf32, #tpu.memory_space<hbm>>
      tpu.wait_indirect_dma semaphore(%arg11 : memref<!tpu.dma_semaphore, #tpu.memory_space<semaphore_mem>>) src(%dma_wait3A_89 : memref<10000x128xf32, #tpu.memory_space<hbm>>) dst(%arg8 : memref<128x128xf32, #tpu.memory_space<vmem>>)
      %run_scoped3A_90 = arith.constant 3 : i32
      "tpu.region"() ({
        %run_scoped3A_121 = tpu.sem_alloc : memref<!tpu.dma_semaphore, #tpu.memory_space<semaphore_mem>>
        %dma_start3A_122 = arith.constant 0 : i32
        %dma_start3A_123 = tpu.memref_slice %arg6[%run_scoped3A_90, %dma_start3A_122] : memref<8x128xi32, #tpu.memory_space<vmem>> -> memref<1x128xi32, #tpu.memory_space<vmem>>
        %dma_start3A_124 = tpu.memref_squeeze %dma_start3A_123 : memref<1x128xi32, #tpu.memory_space<vmem>> -> memref<128xi32, #tpu.memory_space<vmem>>
        %dma_start3A_125 = arith.constant 0 : i32
        %dma_start3A_126 = arith.constant 0 : i32
        %dma_start3A_127 = tpu.memref_slice %arg9[%dma_start3A_125, %dma_start3A_126] : memref<10240x128xf32, #tpu.memory_space<vmem_shared>> -> memref<10240x128xf32, #tpu.memory_space<vmem_shared>>
        tpu.enqueue_indirect_dma source(%arg8 : memref<128x128xf32, #tpu.memory_space<vmem>>) target(%dma_start3A_127 : memref<10240x128xf32, #tpu.memory_space<vmem_shared>>) offsets(%dma_start3A_124 : memref<128xi32, #tpu.memory_space<vmem>>) semaphore(%run_scoped3A_121 : memref<!tpu.dma_semaphore, #tpu.memory_space<semaphore_mem>>) {add = true}
        %dma_wait3A_128 = arith.constant 0 : i32
        %dma_wait3A_129 = tpu.memref_slice %arg6[%run_scoped3A_90, %dma_wait3A_128] : memref<8x128xi32, #tpu.memory_space<vmem>> -> memref<1x128xi32, #tpu.memory_space<vmem>>
        %dma_wait3A_130 = tpu.memref_squeeze %dma_wait3A_129 : memref<1x128xi32, #tpu.memory_space<vmem>> -> memref<128xi32, #tpu.memory_space<vmem>>
        %dma_wait3A_131 = arith.constant 0 : i32
        %dma_wait3A_132 = arith.constant 0 : i32
        %dma_wait3A_133 = tpu.memref_slice %arg9[%dma_wait3A_131, %dma_wait3A_132] : memref<10240x128xf32, #tpu.memory_space<vmem_shared>> -> memref<10240x128xf32, #tpu.memory_space<vmem_shared>>
        tpu.wait_indirect_dma semaphore(%run_scoped3A_121 : memref<!tpu.dma_semaphore, #tpu.memory_space<semaphore_mem>>) src(%arg8 : memref<128x128xf32, #tpu.memory_space<vmem>>) dst(%dma_wait3A_133 : memref<10240x128xf32, #tpu.memory_space<vmem_shared>>)
        tpu.yield
      }) : () -> ()
      %dma_start3A_91 = arith.constant 4 : i32
      %dma_start3A_92 = arith.constant 0 : i32
      %dma_start3A_93 = tpu.memref_slice %arg6[%dma_start3A_91, %dma_start3A_92] : memref<8x128xi32, #tpu.memory_space<vmem>> -> memref<1x128xi32, #tpu.memory_space<vmem>>
      %dma_start3A_94 = tpu.memref_squeeze %dma_start3A_93 : memref<1x128xi32, #tpu.memory_space<vmem>> -> memref<128xi32, #tpu.memory_space<vmem>>
      %dma_start3A_95 = arith.constant 0 : i32
      %dma_start3A_96 = arith.constant 0 : i32
      %dma_start3A_97 = tpu.memref_slice %arg2[%dma_start3A_95, %dma_start3A_96] : memref<10000x128xf32, #tpu.memory_space<hbm>> -> memref<10000x128xf32, #tpu.memory_space<hbm>>
      tpu.enqueue_indirect_dma source(%dma_start3A_97 : memref<10000x128xf32, #tpu.memory_space<hbm>>) target(%arg7 : memref<128x128xf32, #tpu.memory_space<vmem>>) offsets(%dma_start3A_94 : memref<128xi32, #tpu.memory_space<vmem>>) semaphore(%arg10 : memref<!tpu.dma_semaphore, #tpu.memory_space<semaphore_mem>>)
      %dma_start3A_98 = arith.constant 6 : i32
      %dma_start3A_99 = arith.constant 0 : i32
      %dma_start3A_100 = tpu.memref_slice %arg6[%dma_start3A_98, %dma_start3A_99] : memref<8x128xi32, #tpu.memory_space<vmem>> -> memref<1x128xi32, #tpu.memory_space<vmem>>
      %dma_start3A_101 = tpu.memref_squeeze %dma_start3A_100 : memref<1x128xi32, #tpu.memory_space<vmem>> -> memref<128xi32, #tpu.memory_space<vmem>>
      %dma_start3A_102 = arith.constant 0 : i32
      %dma_start3A_103 = arith.constant 0 : i32
      %dma_start3A_104 = tpu.memref_slice %arg2[%dma_start3A_102, %dma_start3A_103] : memref<10000x128xf32, #tpu.memory_space<hbm>> -> memref<10000x128xf32, #tpu.memory_space<hbm>>
      tpu.enqueue_indirect_dma source(%dma_start3A_104 : memref<10000x128xf32, #tpu.memory_space<hbm>>) target(%arg8 : memref<128x128xf32, #tpu.memory_space<vmem>>) offsets(%dma_start3A_101 : memref<128xi32, #tpu.memory_space<vmem>>) semaphore(%arg11 : memref<!tpu.dma_semaphore, #tpu.memory_space<semaphore_mem>>)
      %dma_wait3A_105 = arith.constant 4 : i32
      %dma_wait3A_106 = arith.constant 0 : i32
      %dma_wait3A_107 = tpu.memref_slice %arg6[%dma_wait3A_105, %dma_wait3A_106] : memref<8x128xi32, #tpu.memory_space<vmem>> -> memref<1x128xi32, #tpu.memory_space<vmem>>
      %dma_wait3A_108 = tpu.memref_squeeze %dma_wait3A_107 : memref<1x128xi32, #tpu.memory_space<vmem>> -> memref<128xi32, #tpu.memory_space<vmem>>
      %dma_wait3A_109 = arith.constant 0 : i32
      %dma_wait3A_110 = arith.constant 0 : i32
      %dma_wait3A_111 = tpu.memref_slice %arg2[%dma_wait3A_109, %dma_wait3A_110] : memref<10000x128xf32, #tpu.memory_space<hbm>> -> memref<10000x128xf32, #tpu.memory_space<hbm>>
      tpu.wait_indirect_dma semaphore(%arg10 : memref<!tpu.dma_semaphore, #tpu.memory_space<semaphore_mem>>) src(%dma_wait3A_111 : memref<10000x128xf32, #tpu.memory_space<hbm>>) dst(%arg7 : memref<128x128xf32, #tpu.memory_space<vmem>>)
      %run_scoped3A_112 = arith.constant 5 : i32
      "tpu.region"() ({
        %run_scoped3A_121 = tpu.sem_alloc : memref<!tpu.dma_semaphore, #tpu.memory_space<semaphore_mem>>
        %dma_start3A_122 = arith.constant 0 : i32
        %dma_start3A_123 = tpu.memref_slice %arg6[%run_scoped3A_112, %dma_start3A_122] : memref<8x128xi32, #tpu.memory_space<vmem>> -> memref<1x128xi32, #tpu.memory_space<vmem>>
        %dma_start3A_124 = tpu.memref_squeeze %dma_start3A_123 : memref<1x128xi32, #tpu.memory_space<vmem>> -> memref<128xi32, #tpu.memory_space<vmem>>
        %dma_start3A_125 = arith.constant 0 : i32
        %dma_start3A_126 = arith.constant 0 : i32
        %dma_start3A_127 = tpu.memref_slice %arg9[%dma_start3A_125, %dma_start3A_126] : memref<10240x128xf32, #tpu.memory_space<vmem_shared>> -> memref<10240x128xf32, #tpu.memory_space<vmem_shared>>
        tpu.enqueue_indirect_dma source(%arg7 : memref<128x128xf32, #tpu.memory_space<vmem>>) target(%dma_start3A_127 : memref<10240x128xf32, #tpu.memory_space<vmem_shared>>) offsets(%dma_start3A_124 : memref<128xi32, #tpu.memory_space<vmem>>) semaphore(%run_scoped3A_121 : memref<!tpu.dma_semaphore, #tpu.memory_space<semaphore_mem>>) {add = true}
        %dma_wait3A_128 = arith.constant 0 : i32
        %dma_wait3A_129 = tpu.memref_slice %arg6[%run_scoped3A_112, %dma_wait3A_128] : memref<8x128xi32, #tpu.memory_space<vmem>> -> memref<1x128xi32, #tpu.memory_space<vmem>>
        %dma_wait3A_130 = tpu.memref_squeeze %dma_wait3A_129 : memref<1x128xi32, #tpu.memory_space<vmem>> -> memref<128xi32, #tpu.memory_space<vmem>>
        %dma_wait3A_131 = arith.constant 0 : i32
        %dma_wait3A_132 = arith.constant 0 : i32
        %dma_wait3A_133 = tpu.memref_slice %arg9[%dma_wait3A_131, %dma_wait3A_132] : memref<10240x128xf32, #tpu.memory_space<vmem_shared>> -> memref<10240x128xf32, #tpu.memory_space<vmem_shared>>
        tpu.wait_indirect_dma semaphore(%run_scoped3A_121 : memref<!tpu.dma_semaphore, #tpu.memory_space<semaphore_mem>>) src(%arg7 : memref<128x128xf32, #tpu.memory_space<vmem>>) dst(%dma_wait3A_133 : memref<10240x128xf32, #tpu.memory_space<vmem_shared>>)
        tpu.yield
      }) : () -> ()
      %dma_wait3A_113 = arith.constant 6 : i32
      %dma_wait3A_114 = arith.constant 0 : i32
      %dma_wait3A_115 = tpu.memref_slice %arg6[%dma_wait3A_113, %dma_wait3A_114] : memref<8x128xi32, #tpu.memory_space<vmem>> -> memref<1x128xi32, #tpu.memory_space<vmem>>
      %dma_wait3A_116 = tpu.memref_squeeze %dma_wait3A_115 : memref<1x128xi32, #tpu.memory_space<vmem>> -> memref<128xi32, #tpu.memory_space<vmem>>
      %dma_wait3A_117 = arith.constant 0 : i32
      %dma_wait3A_118 = arith.constant 0 : i32
      %dma_wait3A_119 = tpu.memref_slice %arg2[%dma_wait3A_117, %dma_wait3A_118] : memref<10000x128xf32, #tpu.memory_space<hbm>> -> memref<10000x128xf32, #tpu.memory_space<hbm>>
      tpu.wait_indirect_dma semaphore(%arg11 : memref<!tpu.dma_semaphore, #tpu.memory_space<semaphore_mem>>) src(%dma_wait3A_119 : memref<10000x128xf32, #tpu.memory_space<hbm>>) dst(%arg8 : memref<128x128xf32, #tpu.memory_space<vmem>>)
      %run_scoped3A_120 = arith.constant 7 : i32
      "tpu.region"() ({
        %run_scoped3A_121 = tpu.sem_alloc : memref<!tpu.dma_semaphore, #tpu.memory_space<semaphore_mem>>
        %dma_start3A_122 = arith.constant 0 : i32
        %dma_start3A_123 = tpu.memref_slice %arg6[%run_scoped3A_120, %dma_start3A_122] : memref<8x128xi32, #tpu.memory_space<vmem>> -> memref<1x128xi32, #tpu.memory_space<vmem>>
        %dma_start3A_124 = tpu.memref_squeeze %dma_start3A_123 : memref<1x128xi32, #tpu.memory_space<vmem>> -> memref<128xi32, #tpu.memory_space<vmem>>
        %dma_start3A_125 = arith.constant 0 : i32
        %dma_start3A_126 = arith.constant 0 : i32
        %dma_start3A_127 = tpu.memref_slice %arg9[%dma_start3A_125, %dma_start3A_126] : memref<10240x128xf32, #tpu.memory_space<vmem_shared>> -> memref<10240x128xf32, #tpu.memory_space<vmem_shared>>
        tpu.enqueue_indirect_dma source(%arg8 : memref<128x128xf32, #tpu.memory_space<vmem>>) target(%dma_start3A_127 : memref<10240x128xf32, #tpu.memory_space<vmem_shared>>) offsets(%dma_start3A_124 : memref<128xi32, #tpu.memory_space<vmem>>) semaphore(%run_scoped3A_121 : memref<!tpu.dma_semaphore, #tpu.memory_space<semaphore_mem>>) {add = true}
        %dma_wait3A_128 = arith.constant 0 : i32
        %dma_wait3A_129 = tpu.memref_slice %arg6[%run_scoped3A_120, %dma_wait3A_128] : memref<8x128xi32, #tpu.memory_space<vmem>> -> memref<1x128xi32, #tpu.memory_space<vmem>>
        %dma_wait3A_130 = tpu.memref_squeeze %dma_wait3A_129 : memref<1x128xi32, #tpu.memory_space<vmem>> -> memref<128xi32, #tpu.memory_space<vmem>>
        %dma_wait3A_131 = arith.constant 0 : i32
        %dma_wait3A_132 = arith.constant 0 : i32
        %dma_wait3A_133 = tpu.memref_slice %arg9[%dma_wait3A_131, %dma_wait3A_132] : memref<10240x128xf32, #tpu.memory_space<vmem_shared>> -> memref<10240x128xf32, #tpu.memory_space<vmem_shared>>
        tpu.wait_indirect_dma semaphore(%run_scoped3A_121 : memref<!tpu.dma_semaphore, #tpu.memory_space<semaphore_mem>>) src(%arg8 : memref<128x128xf32, #tpu.memory_space<vmem>>) dst(%dma_wait3A_133 : memref<10240x128xf32, #tpu.memory_space<vmem_shared>>)
        tpu.yield
      }) : () -> ()
    }
    %scan3A_52 = arith.constant 20 : i32
    %barrier3A_53 = arith.constant 0 : index
    tpu.barrier barrier_id(%barrier3A_53)
    %mul3A_54 = arith.constant 640 : i32
    %mul3A_55 = arith.muli %arg1, %mul3A_54 : i32
    %mul3A_56 = arith.constant 640 : i32
    %mul3A_57 = arith.muli %arg1, %mul3A_56 : i32
    "tpu.region"() ({
      %run_scoped3A = tpu.sem_alloc : memref<!tpu.dma_semaphore, #tpu.memory_space<semaphore_mem>>
      %dma_start3A = arith.constant 0 : i32
      %dma_start3A_58 = tpu.memref_slice %arg4[%arg0, %mul3A_57, %dma_start3A] : memref<2x10240x128xf32, #tpu.memory_space<hbm>> -> memref<1x640x128xf32, #tpu.memory_space<hbm>>
      %dma_start3A_59 = tpu.memref_squeeze %dma_start3A_58 : memref<1x640x128xf32, #tpu.memory_space<hbm>> -> memref<640x128xf32, #tpu.memory_space<hbm>>
      %dma_start3A_60 = arith.constant 0 : i32
      %dma_start3A_61 = tpu.memref_slice %arg9[%mul3A_55, %dma_start3A_60] : memref<10240x128xf32, #tpu.memory_space<vmem_shared>> -> memref<640x128xf32, #tpu.memory_space<vmem_shared>>
      tpu.enqueue_dma source(%dma_start3A_61 : memref<640x128xf32, #tpu.memory_space<vmem_shared>>) target(%dma_start3A_59 : memref<640x128xf32, #tpu.memory_space<hbm>>) target_semaphore(%run_scoped3A : memref<!tpu.dma_semaphore, #tpu.memory_space<semaphore_mem>>)
      %dma_wait3A = arith.constant 0 : i32
      %dma_wait3A_62 = tpu.memref_slice %arg4[%arg0, %mul3A_57, %dma_wait3A] : memref<2x10240x128xf32, #tpu.memory_space<hbm>> -> memref<1x640x128xf32, #tpu.memory_space<hbm>>
      %dma_wait3A_63 = tpu.memref_squeeze %dma_wait3A_62 : memref<1x640x128xf32, #tpu.memory_space<hbm>> -> memref<640x128xf32, #tpu.memory_space<hbm>>
      %dma_wait3A_64 = arith.constant 0 : i32
      %dma_wait3A_65 = tpu.memref_slice %arg9[%mul3A_55, %dma_wait3A_64] : memref<10240x128xf32, #tpu.memory_space<vmem_shared>> -> memref<640x128xf32, #tpu.memory_space<vmem_shared>>
      tpu.wait_dma2 semaphore(%run_scoped3A : memref<!tpu.dma_semaphore, #tpu.memory_space<semaphore_mem>>) src(%dma_wait3A_65 : memref<640x128xf32, #tpu.memory_space<vmem_shared>>) dst(%dma_wait3A_63 : memref<640x128xf32, #tpu.memory_space<hbm>>)
      tpu.yield
    }) : () -> ()
    return
  }
}

module attributes {stable_mosaic.version = 14 : i64} {
  func.func @_dense_body(%arg0: i32, %arg1: memref<2x400x128xf32, #tpu.memory_space<vmem>>, %arg2: memref<2x400x128xf32, #tpu.memory_space<vmem>>, %arg3: memref<400x128xf32, #tpu.memory_space<vmem>>, %arg4: memref<128x128xf32, #tpu.memory_space<vmem>>, %arg5: memref<128x128xf32, #tpu.memory_space<vmem>>, %arg6: memref<1x128xf32, #tpu.memory_space<vmem>>, %arg7: memref<400x128xf32, #tpu.memory_space<vmem>>) attributes {dimension_semantics = [#tpu.dimension_semantics<arbitrary>], iteration_bounds = array<i64: 25>, scalar_prefetch = 0 : i64, scratch_operands = 0 : i64, tpu.core_type = #tpu.core_type<tc>, window_params = [{transform_indices = @transform_0, window_bounds = array<i64: 2, 400, 128>}, {transform_indices = @transform_1, window_bounds = array<i64: 2, 400, 128>}, {transform_indices = @transform_2, window_bounds = array<i64: 400, 128>}, {pipeline_mode = #tpu.pipeline_mode<synchronous>, transform_indices = @transform_3, window_bounds = array<i64: 128, 128>}, {pipeline_mode = #tpu.pipeline_mode<synchronous>, transform_indices = @transform_4, window_bounds = array<i64: 128, 128>}, {pipeline_mode = #tpu.pipeline_mode<synchronous>, transform_indices = @transform_5, window_bounds = array<i64: 1, 128>}, {transform_indices = @transform_6, window_bounds = array<i64: 400, 128>}]} {
    %get3A = arith.constant 0 : index
    %get3A_0 = arith.constant 0 : index
    %get3A_1 = arith.constant 0 : index
    %get3A_2 = vector.load %arg1[%get3A, %get3A_0, %get3A_1] : memref<2x400x128xf32, #tpu.memory_space<vmem>>, vector<1x400x128xf32>
    %get3A_3 = vector.shape_cast %get3A_2 : vector<1x400x128xf32> to vector<400x128xf32>
    %get3A_4 = arith.constant 1 : index
    %get3A_5 = arith.constant 0 : index
    %get3A_6 = arith.constant 0 : index
    %get3A_7 = vector.load %arg1[%get3A_4, %get3A_5, %get3A_6] : memref<2x400x128xf32, #tpu.memory_space<vmem>>, vector<1x400x128xf32>
    %get3A_8 = vector.shape_cast %get3A_7 : vector<1x400x128xf32> to vector<400x128xf32>
    %add3A = arith.addf %get3A_3, %get3A_8 : vector<400x128xf32>
    %get3A_9 = arith.constant 0 : index
    %get3A_10 = arith.constant 0 : index
    %get3A_11 = arith.constant 0 : index
    %get3A_12 = vector.load %arg2[%get3A_9, %get3A_10, %get3A_11] : memref<2x400x128xf32, #tpu.memory_space<vmem>>, vector<1x400x128xf32>
    %get3A_13 = vector.shape_cast %get3A_12 : vector<1x400x128xf32> to vector<400x128xf32>
    %get3A_14 = arith.constant 1 : index
    %get3A_15 = arith.constant 0 : index
    %get3A_16 = arith.constant 0 : index
    %get3A_17 = vector.load %arg2[%get3A_14, %get3A_15, %get3A_16] : memref<2x400x128xf32, #tpu.memory_space<vmem>>, vector<1x400x128xf32>
    %get3A_18 = vector.shape_cast %get3A_17 : vector<1x400x128xf32> to vector<400x128xf32>
    %add3A_19 = arith.addf %get3A_13, %get3A_18 : vector<400x128xf32>
    %slice3A = vector.extract_strided_slice %add3A_19 {offsets = [0, 0], sizes = [400, 1], strides = [1, 1]} : vector<400x128xf32> to vector<400x1xf32>
    %max3A = arith.constant 1.000000e+00 : f32
    %max3A_20 = vector.broadcast %max3A : f32 to vector<400x1xf32>
    %max3A_21 = arith.maximumf %slice3A, %max3A_20 : vector<400x1xf32>
    %div3A = arith.constant 1.000000e+00 : f32
    %div3A_22 = vector.broadcast %div3A : f32 to vector<400x1xf32>
    %div3A_23 = arith.divf %div3A_22, %max3A_21 : vector<400x1xf32>
    %mul3A = vector.broadcast %div3A_23 : vector<400x1xf32> to vector<400x128xf32>
    %mul3A_24 = arith.mulf %add3A, %mul3A : vector<400x128xf32>
    %get3A_25 = arith.constant 0 : index
    %get3A_26 = arith.constant 0 : index
    %get3A_27 = vector.load %arg4[%get3A_25, %get3A_26] : memref<128x128xf32, #tpu.memory_space<vmem>>, vector<128x128xf32>
    %dot_general3A = arith.constant dense<0.000000e+00> : vector<400x128xf32>
    %dot_general3A_28 = tpu.matmul %mul3A_24, %get3A_27, %dot_general3A {dimension_numbers = #tpu.dot_dimension_numbers<[1], [0], [0], [1], [0, 0, 1, 1], [], []>, transpose_lhs_hint = false} : vector<400x128xf32>, vector<128x128xf32>, vector<400x128xf32> -> vector<400x128xf32>
    %get3A_29 = arith.constant 0 : index
    %get3A_30 = arith.constant 0 : index
    %get3A_31 = vector.load %arg3[%get3A_29, %get3A_30] : memref<400x128xf32, #tpu.memory_space<vmem>>, vector<400x128xf32>
    %get3A_32 = arith.constant 0 : index
    %get3A_33 = arith.constant 0 : index
    %get3A_34 = vector.load %arg5[%get3A_32, %get3A_33] : memref<128x128xf32, #tpu.memory_space<vmem>>, vector<128x128xf32>
    %dot_general3A_35 = arith.constant dense<0.000000e+00> : vector<400x128xf32>
    %dot_general3A_36 = tpu.matmul %get3A_31, %get3A_34, %dot_general3A_35 {dimension_numbers = #tpu.dot_dimension_numbers<[1], [0], [0], [1], [0, 0, 1, 1], [], []>, transpose_lhs_hint = false} : vector<400x128xf32>, vector<128x128xf32>, vector<400x128xf32> -> vector<400x128xf32>
    %add3A_37 = arith.addf %dot_general3A_28, %dot_general3A_36 : vector<400x128xf32>
    %get3A_38 = arith.constant 0 : index
    %get3A_39 = arith.constant 0 : index
    %get3A_40 = vector.load %arg6[%get3A_38, %get3A_39] : memref<1x128xf32, #tpu.memory_space<vmem>>, vector<1x128xf32>
    %add3A_41 = vector.broadcast %get3A_40 : vector<1x128xf32> to vector<400x128xf32>
    %add3A_42 = arith.addf %add3A_37, %add3A_41 : vector<400x128xf32>
    %max3A_43 = arith.constant 0.000000e+00 : f32
    %max3A_44 = vector.broadcast %max3A_43 : f32 to vector<400x128xf32>
    %max3A_45 = arith.maximumf %add3A_42, %max3A_44 : vector<400x128xf32>
    %swap3A = arith.constant 0 : index
    %swap3A_46 = arith.constant 0 : index
    %swap3A_47 = vector.load %arg7[%swap3A, %swap3A_46] : memref<400x128xf32, #tpu.memory_space<vmem>>, vector<400x128xf32>
    tpu.vector_store %arg7[%swap3A, %swap3A_46], %max3A_45 {strides = array<i32>} : memref<400x128xf32, #tpu.memory_space<vmem>>, vector<400x128xf32>,
    return
  }
  func.func @transform_0(%arg0: i32) -> (i32, i32, i32) {
    %c0_i32 = arith.constant 0 : i32
    %c0_i32_0 = arith.constant 0 : i32
    %c0_i32_1 = arith.constant 0 : i32
    return %c0_i32, %arg0, %c0_i32_0 : i32, i32, i32
  }
  func.func @transform_1(%arg0: i32) -> (i32, i32, i32) {
    %c0_i32 = arith.constant 0 : i32
    %c0_i32_0 = arith.constant 0 : i32
    %c0_i32_1 = arith.constant 0 : i32
    return %c0_i32, %arg0, %c0_i32_0 : i32, i32, i32
  }
  func.func @transform_2(%arg0: i32) -> (i32, i32) {
    %c0_i32 = arith.constant 0 : i32
    %c0_i32_0 = arith.constant 0 : i32
    return %arg0, %c0_i32 : i32, i32
  }
  func.func @transform_3(%arg0: i32) -> (i32, i32) {
    %c0_i32 = arith.constant 0 : i32
    %c0_i32_0 = arith.constant 0 : i32
    %c0_i32_1 = arith.constant 0 : i32
    return %c0_i32, %c0_i32_0 : i32, i32
  }
  func.func @transform_4(%arg0: i32) -> (i32, i32) {
    %c0_i32 = arith.constant 0 : i32
    %c0_i32_0 = arith.constant 0 : i32
    %c0_i32_1 = arith.constant 0 : i32
    return %c0_i32, %c0_i32_0 : i32, i32
  }
  func.func @transform_5(%arg0: i32) -> (i32, i32) {
    %c0_i32 = arith.constant 0 : i32
    %c0_i32_0 = arith.constant 0 : i32
    %c0_i32_1 = arith.constant 0 : i32
    return %c0_i32, %c0_i32_0 : i32, i32
  }
  func.func @transform_6(%arg0: i32) -> (i32, i32) {
    %c0_i32 = arith.constant 0 : i32
    %c0_i32_0 = arith.constant 0 : i32
    return %arg0, %c0_i32 : i32, i32
  }
}

module attributes {stable_mosaic.version = 14 : i64} {
  func.func @_dense_body(%arg0: i32, %arg1: memref<2x400x128xf32, #tpu.memory_space<vmem>>, %arg2: memref<2x400x128xf32, #tpu.memory_space<vmem>>, %arg3: memref<400x128xf32, #tpu.memory_space<vmem>>, %arg4: memref<128x128xf32, #tpu.memory_space<vmem>>, %arg5: memref<128x128xf32, #tpu.memory_space<vmem>>, %arg6: memref<1x128xf32, #tpu.memory_space<vmem>>, %arg7: memref<400x128xf32, #tpu.memory_space<vmem>>) attributes {dimension_semantics = [#tpu.dimension_semantics<arbitrary>], iteration_bounds = array<i64: 25>, scalar_prefetch = 0 : i64, scratch_operands = 0 : i64, tpu.core_type = #tpu.core_type<tc>, window_params = [{transform_indices = @transform_0, window_bounds = array<i64: 2, 400, 128>}, {transform_indices = @transform_1, window_bounds = array<i64: 2, 400, 128>}, {transform_indices = @transform_2, window_bounds = array<i64: 400, 128>}, {pipeline_mode = #tpu.pipeline_mode<synchronous>, transform_indices = @transform_3, window_bounds = array<i64: 128, 128>}, {pipeline_mode = #tpu.pipeline_mode<synchronous>, transform_indices = @transform_4, window_bounds = array<i64: 128, 128>}, {pipeline_mode = #tpu.pipeline_mode<synchronous>, transform_indices = @transform_5, window_bounds = array<i64: 1, 128>}, {transform_indices = @transform_6, window_bounds = array<i64: 400, 128>}]} {
    %get3A = arith.constant 0 : index
    %get3A_0 = arith.constant 0 : index
    %get3A_1 = arith.constant 0 : index
    %get3A_2 = vector.load %arg1[%get3A, %get3A_0, %get3A_1] : memref<2x400x128xf32, #tpu.memory_space<vmem>>, vector<1x400x128xf32>
    %get3A_3 = vector.shape_cast %get3A_2 : vector<1x400x128xf32> to vector<400x128xf32>
    %get3A_4 = arith.constant 1 : index
    %get3A_5 = arith.constant 0 : index
    %get3A_6 = arith.constant 0 : index
    %get3A_7 = vector.load %arg1[%get3A_4, %get3A_5, %get3A_6] : memref<2x400x128xf32, #tpu.memory_space<vmem>>, vector<1x400x128xf32>
    %get3A_8 = vector.shape_cast %get3A_7 : vector<1x400x128xf32> to vector<400x128xf32>
    %add3A = arith.addf %get3A_3, %get3A_8 : vector<400x128xf32>
    %get3A_9 = arith.constant 0 : index
    %get3A_10 = arith.constant 0 : index
    %get3A_11 = arith.constant 0 : index
    %get3A_12 = vector.load %arg2[%get3A_9, %get3A_10, %get3A_11] : memref<2x400x128xf32, #tpu.memory_space<vmem>>, vector<1x400x128xf32>
    %get3A_13 = vector.shape_cast %get3A_12 : vector<1x400x128xf32> to vector<400x128xf32>
    %get3A_14 = arith.constant 1 : index
    %get3A_15 = arith.constant 0 : index
    %get3A_16 = arith.constant 0 : index
    %get3A_17 = vector.load %arg2[%get3A_14, %get3A_15, %get3A_16] : memref<2x400x128xf32, #tpu.memory_space<vmem>>, vector<1x400x128xf32>
    %get3A_18 = vector.shape_cast %get3A_17 : vector<1x400x128xf32> to vector<400x128xf32>
    %add3A_19 = arith.addf %get3A_13, %get3A_18 : vector<400x128xf32>
    %slice3A = vector.extract_strided_slice %add3A_19 {offsets = [0, 0], sizes = [400, 1], strides = [1, 1]} : vector<400x128xf32> to vector<400x1xf32>
    %max3A = arith.constant 1.000000e+00 : f32
    %max3A_20 = vector.broadcast %max3A : f32 to vector<400x1xf32>
    %max3A_21 = arith.maximumf %slice3A, %max3A_20 : vector<400x1xf32>
    %div3A = arith.constant 1.000000e+00 : f32
    %div3A_22 = vector.broadcast %div3A : f32 to vector<400x1xf32>
    %div3A_23 = arith.divf %div3A_22, %max3A_21 : vector<400x1xf32>
    %mul3A = vector.broadcast %div3A_23 : vector<400x1xf32> to vector<400x128xf32>
    %mul3A_24 = arith.mulf %add3A, %mul3A : vector<400x128xf32>
    %get3A_25 = arith.constant 0 : index
    %get3A_26 = arith.constant 0 : index
    %get3A_27 = vector.load %arg4[%get3A_25, %get3A_26] : memref<128x128xf32, #tpu.memory_space<vmem>>, vector<128x128xf32>
    %dot_general3A = arith.constant dense<0.000000e+00> : vector<400x128xf32>
    %dot_general3A_28 = tpu.matmul %mul3A_24, %get3A_27, %dot_general3A {dimension_numbers = #tpu.dot_dimension_numbers<[1], [0], [0], [1], [0, 0, 1, 1], [], []>, transpose_lhs_hint = false} : vector<400x128xf32>, vector<128x128xf32>, vector<400x128xf32> -> vector<400x128xf32>
    %get3A_29 = arith.constant 0 : index
    %get3A_30 = arith.constant 0 : index
    %get3A_31 = vector.load %arg3[%get3A_29, %get3A_30] : memref<400x128xf32, #tpu.memory_space<vmem>>, vector<400x128xf32>
    %get3A_32 = arith.constant 0 : index
    %get3A_33 = arith.constant 0 : index
    %get3A_34 = vector.load %arg5[%get3A_32, %get3A_33] : memref<128x128xf32, #tpu.memory_space<vmem>>, vector<128x128xf32>
    %dot_general3A_35 = arith.constant dense<0.000000e+00> : vector<400x128xf32>
    %dot_general3A_36 = tpu.matmul %get3A_31, %get3A_34, %dot_general3A_35 {dimension_numbers = #tpu.dot_dimension_numbers<[1], [0], [0], [1], [0, 0, 1, 1], [], []>, transpose_lhs_hint = false} : vector<400x128xf32>, vector<128x128xf32>, vector<400x128xf32> -> vector<400x128xf32>
    %add3A_37 = arith.addf %dot_general3A_28, %dot_general3A_36 : vector<400x128xf32>
    %get3A_38 = arith.constant 0 : index
    %get3A_39 = arith.constant 0 : index
    %get3A_40 = vector.load %arg6[%get3A_38, %get3A_39] : memref<1x128xf32, #tpu.memory_space<vmem>>, vector<1x128xf32>
    %add3A_41 = vector.broadcast %get3A_40 : vector<1x128xf32> to vector<400x128xf32>
    %add3A_42 = arith.addf %add3A_37, %add3A_41 : vector<400x128xf32>
    %swap3A = arith.constant 0 : index
    %swap3A_43 = arith.constant 0 : index
    %swap3A_44 = vector.load %arg7[%swap3A, %swap3A_43] : memref<400x128xf32, #tpu.memory_space<vmem>>, vector<400x128xf32>
    tpu.vector_store %arg7[%swap3A, %swap3A_43], %add3A_42 {strides = array<i32>} : memref<400x128xf32, #tpu.memory_space<vmem>>, vector<400x128xf32>,
    return
  }
  func.func @transform_0(%arg0: i32) -> (i32, i32, i32) {
    %c0_i32 = arith.constant 0 : i32
    %c0_i32_0 = arith.constant 0 : i32
    %c0_i32_1 = arith.constant 0 : i32
    return %c0_i32, %arg0, %c0_i32_0 : i32, i32, i32
  }
  func.func @transform_1(%arg0: i32) -> (i32, i32, i32) {
    %c0_i32 = arith.constant 0 : i32
    %c0_i32_0 = arith.constant 0 : i32
    %c0_i32_1 = arith.constant 0 : i32
    return %c0_i32, %arg0, %c0_i32_0 : i32, i32, i32
  }
  func.func @transform_2(%arg0: i32) -> (i32, i32) {
    %c0_i32 = arith.constant 0 : i32
    %c0_i32_0 = arith.constant 0 : i32
    return %arg0, %c0_i32 : i32, i32
  }
  func.func @transform_3(%arg0: i32) -> (i32, i32) {
    %c0_i32 = arith.constant 0 : i32
    %c0_i32_0 = arith.constant 0 : i32
    %c0_i32_1 = arith.constant 0 : i32
    return %c0_i32, %c0_i32_0 : i32, i32
  }
  func.func @transform_4(%arg0: i32) -> (i32, i32) {
    %c0_i32 = arith.constant 0 : i32
    %c0_i32_0 = arith.constant 0 : i32
    %c0_i32_1 = arith.constant 0 : i32
    return %c0_i32, %c0_i32_0 : i32, i32
  }
  func.func @transform_5(%arg0: i32) -> (i32, i32) {
    %c0_i32 = arith.constant 0 : i32
    %c0_i32_0 = arith.constant 0 : i32
    %c0_i32_1 = arith.constant 0 : i32
    return %c0_i32, %c0_i32_0 : i32, i32
  }
  func.func @transform_6(%arg0: i32) -> (i32, i32) {
    %c0_i32 = arith.constant 0 : i32
    %c0_i32_0 = arith.constant 0 : i32
    return %arg0, %c0_i32 : i32, i32
  }
}

</mosaic_0001>

<sc_bundles>
// kernel: sage_agg.3.cloned.1.call-start
scs
__scs_entry_jumppad:
0x0: {  	(pc) =	sbr.rel $0x88, $3  }
0x1: {  	(tag) =	ssettag $0x0;
	lr =	simm.s32 $0x1  }
0x2: {  	[smem:$0x3F99] =	sst lr;
	_ =	strace $0xD0000000  }
0x3: {  	_ = 	snop  }
0x4: {  	_ = 	snop  }
0x5: {  	_ = 	snop  }
0x6: {  	_ = 	snop  }
0x7: {  	_ = 	snop  }
__scs_overlays_trampoline_lowered:
0x8: {  	[smem:$0x3FA8] =	sst s0  }
0x9: {  	[smem:$0x3FA9] =	sst s1  }
0xa: {  	[smem:$0x3FAA] =	sst s2  }
0xb: {  	[smem:$0x3FAB] =	sst s3  }
0xc: {  	[smem:$0x3FAC] =	sst s4  }
0xd: {  	[smem:$0x3FAD] =	sst s5  }
0xe: {  	[smem:$0x3FAE] =	sst s6  }
0xf: {  	[smem:$0x3FAF] =	sst s7  }
0x10: {  	[smem:$0x3FB0] =	sst s8  }
0x11: {  	[smem:$0x3FB1] =	sst s9;
	s0 =	simm.s32 @!p0 $0x0  }
0x12: {  	s1 =	sld [smem:$0x3F97];
	s0 =	simm.s32 @p0 $0x1  }
0x13: {  	[smem:$0x3FB2] =	sst s0;
	s0 =	simm.s32 @!p1 $0x0  }
0x14: {  	s2 =	sld [smem:$0x3F96];
	s0 =	simm.s32 @p1 $0x1  }
0x15: {  	[smem:$0x3FB3] =	sst s0;
	s0 =	simm.s32 @!p2 $0x0  }
0x16: {  	s3 =	sld [smem:$0x3FDB];
	s0 =	simm.s32 @p2 $0x1  }
0x17: {  	s4 =	simm.s32 $0x1BF5;
	[smem:$0x3FB5] =	sst s0  }
0x18: {  	s0 =	sld [smem:$0x3F98];
	_ =	swait.ge [sflag:s4], $0x0  }
0x19: {  	s7 =	sld [smem:$0x3F99]  }
0x1a: {  	s8 =	sadd.s32 $0xFFFFE003, lr  }
0x1b: {  	s9 =	sadd.s32 $0xFFFFFEF7, lr;
	s5 =	simm.s32 $0xFFFFFFFF;
	p2 =	slt.u32 s8, $0xFFFFF086  }
0x1c: {  	p1 =	slt.u32 s9, $0xF7A;
	s5 =	simm.s32 @!p2 $0x0  }
0x1d: {  	s5 =	simm.s32 @p1 $0x1;
	p0 =	seq.s32 s7, s2  }
0x1e: {  	s7 =	smul.u32 @!p0 $0xF7A, s2;
	p2 =	seq.s32 @!p0 s5, $0x0  }
0x1f: {  	s9 =	smul.u32 $0xF7A, s1;
	s8 =	simm.s32 @!p0 $0x1BF5;
	p2 =	por !p2, p0  }
0x20: {  	[sflag:s8] =	ssyncset.s32 @!p0 $0xFFFFF086;
	s6 =	sadd.s32 @!p0 s3, s7;
	s7 =	simm.s32 @!p0 $0x108  }
0x21: {  	s3 =	sadd.s32 s3, s9;
	s6 =	sadd.s32 @!p0 $0x88, s6;
	s7 =	simm.s32 @p2 $0x1082  }
0x22: {  	[simem:s7], [sflag:s8] =	dma.local @!p0 [hbm:s6], $0xF7A  }
0x23: {  	s9 =	sor.u32 $0xD0000000, s2;
	s6 =	simm.s32 $0x108;
	_ =	swait.ge @!p0 [sflag:s8], $0x0  }
0x24: {  	s3 =	sadd.s32 $0x88, s3;
	s6 =	simm.s32 @!p1 $0x1082;
	[sflag:s4] =	ssyncset.s32 $0xFFFFF086  }
0x25: {  	[simem:s6], [sflag:s4] =	dma.local [hbm:s3], $0xF7A  }
0x26: {  	[smem:$0x3F99] =	sst s1;
	(tag) =	ssettag s2;
	_ =	strace s9  }
0x27: {  	s1 =	sld [smem:$0x3FA9]  }
0x28: {  	s2 =	sld [smem:$0x3FAA]  }
0x29: {  	s4 =	sld [smem:$0x3FAC]  }
0x2a: {  	p0 =	seq.s32 s5, $0x0;
	s5 =	sld [smem:$0x3FAD]  }
0x2b: {  	s6 =	sld [smem:$0x3FAE]  }
0x2c: {  	s7 =	sld [smem:$0x3FAF]  }
0x2d: {  	s3 =	simm.s32 $0x108;
	s8 =	sld [smem:$0x3FB0]  }
0x2e: {  	s3 =	simm.s32 @!p0 $0x1082;
	s9 =	sld [smem:$0x3FB1]  }
0x2f: {  	lr =	sadd.s32 s0, s3;
	s0 =	sld [smem:$0x3FA8]  }
0x30: {  	s3 =	sld [smem:$0x3FAB]  }
0x31: {  	[smem:$0x3FB4] =	sst s10  }
0x32: {  	s10 =	sld [smem:$0x3FB2];
	_ =	sdelay $0x3  }
0x33: {  	p0 =	seq.s32 s10, $0x1;
	s10 =	sld [smem:$0x3FB4];
	_ =	sdelay $0x3  }
0x34: {  	[smem:$0x3FB4] =	sst s10  }
0x35: {  	s10 =	sld [smem:$0x3FB3];
	_ =	sdelay $0x3  }
0x36: {  	p1 =	seq.s32 s10, $0x1;
	s10 =	sld [smem:$0x3FB4];
	_ =	sdelay $0x3  }
0x37: {  	[smem:$0x3FB4] =	sst s10  }
0x38: {  	s10 =	sld [smem:$0x3FB5]  }
0x39: {  	_ = 	snop;
	(pc) =	sbr.ind lr, $3  }
0x3a: {  	_ = 	snop  }
0x3b: {  	_ = 	snop  }
0x3c: {  	p2 =	seq.s32 s10, $0x1;
	s10 =	sld [smem:$0x3FB4]  }
0x3d: {  	_ =	shalt  }
0x3e: {  	_ =	shalt  }
0x3f: {  	_ =	shalt  }
0x40: {  	_ =	shalt  }
0x41: {  	_ =	shalt  }
0x42: {  	_ =	shalt  }
0x43: {  	_ =	shalt  }
0x44: {  	_ =	shalt  }
0x45: {  	_ =	shalt  }
0x46: {  	_ =	shalt  }
0x47: {  	_ =	shalt  }
0x48: {  	_ =	shalt  }
0x49: {  	_ =	shalt  }
0x4a: {  	_ =	shalt  }
0x4b: {  	_ =	shalt  }
0x4c: {  	_ =	shalt  }
0x4d: {  	_ =	shalt  }
0x4e: {  	_ =	shalt  }
0x4f: {  	_ =	shalt  }
0x50: {  	_ =	shalt  }
0x51: {  	_ =	shalt  }
0x52: {  	_ =	shalt  }
0x53: {  	_ =	shalt  }
0x54: {  	_ =	shalt  }
0x55: {  	_ =	shalt  }
0x56: {  	_ =	shalt  }
0x57: {  	_ =	shalt  }
0x58: {  	_ =	shalt  }
0x59: {  	_ =	shalt  }
0x5a: {  	_ =	shalt  }
0x5b: {  	_ =	shalt  }
0x5c: {  	_ =	shalt  }
0x5d: {  	_ =	shalt  }
0x5e: {  	_ =	shalt  }
0x5f: {  	_ =	shalt  }
0x60: {  	_ =	shalt  }
0x61: {  	_ =	shalt  }
0x62: {  	_ =	shalt  }
0x63: {  	_ =	shalt  }
0x64: {  	_ =	shalt  }
0x65: {  	_ =	shalt  }
0x66: {  	_ =	shalt  }
0x67: {  	_ =	shalt  }
0x68: {  	_ =	shalt  }
0x69: {  	_ =	shalt  }
0x6a: {  	_ =	shalt  }
0x6b: {  	_ =	shalt  }
0x6c: {  	_ =	shalt  }
0x6d: {  	_ =	shalt  }
0x6e: {  	_ =	shalt  }
0x6f: {  	_ =	shalt  }
0x70: {  	_ =	shalt  }
0x71: {  	_ =	shalt  }
0x72: {  	_ =	shalt  }
0x73: {  	_ =	shalt  }
0x74: {  	_ =	shalt  }
0x75: {  	_ =	shalt  }
0x76: {  	_ =	shalt  }
0x77: {  	_ =	shalt  }
0x78: {  	_ =	shalt  }
0x79: {  	_ =	shalt  }
0x7a: {  	_ =	shalt  }
0x7b: {  	_ =	shalt  }
0x7c: {  	_ =	shalt  }
0x7d: {  	_ =	shalt  }
0x7e: {  	_ =	shalt  }
0x7f: {  	_ =	shalt  }
0x80: {  	_ =	shalt  }
0x81: {  	_ =	shalt  }
0x82: {  	_ =	shalt  }
0x83: {  	_ =	shalt  }
0x84: {  	_ =	shalt  }
0x85: {  	_ =	shalt  }
0x86: {  	_ =	shalt  }
0x87: {  	_ =	shalt  }
.Lfunc_end0:
.L_simem_size_0:
called_computation.1_lowered:
.L_overlay_start_0:
0x88: {  	s2 =	sld [smem:$0x3FD9]  }
0x89: {  	s3 =	sld [smem:$0x3FFE];
	_ =	sdelay $0x1  }
0x8a: {  	s1 =	srdreg.scid  }
0x8b: {  	s0 =	sand.u32 $0x1, s1  }
0x8c: {  	s17 =	sshll.u32 s0, $0xA;
	s2 =	sadd.s32 s3, s2  }
0x8d: {  	s2 =	sadd.s32 s2, s17  }
0x8e: {  	[smem:$0x3FC0] =	sst s2  }
0x8f: {  	_ = 	snop  }
0x90: {  	s2 =	sld [smem:$0x3FD0];
	(tm) =	ssettm $0x1  }
0x91: {  	s18 =	sld [smem:$0x3FFB];
	_ =	sdelay $0x3  }
0x92: {  	_ =	strace s18  }
0x93: {  	s3 =	sld [smem:$0x3FFC];
	_ =	sdelay $0x3  }
0x94: {  	_ =	strace s3  }
0x95: {  	s3 =	sld [smem:$0x3FFD];
	_ =	sdelay $0x3  }
0x96: {  	_ =	strace s3  }
0x97: {  	_ =	strace $0x8FFFFFFF  }
0x98: {  	s19 =	sld [smem:$0x3FDB];
	_ =	sdelay $0x1  }
0x99: {  	s4 =	simm.s32 $_scs_section_size  }
0x9a: {  	s5 =	simm.s32 $_size__tile_overlayer_lowered;
	s6 =	simm.s32 $_tile_overlayer_lowered  }
0x9b: {  	s22 =	simm.s32 $0x1BFF;
	s21 =	sshll.u32 s6, $0x1;
	s3 =	sadd.s32 s4, s19  }
0x9c: {  	s7 =	simm.s32 $0x0;
	s20 =	sshll.u32 s5, $0x1;
	s5 =	sadd.s32 s21, s3  }
0x9d: {  	[timem:s7], [sflag:s22] =	dma.local [hbm:s5], s20  }
0x9e: {  	_ =	swait.ge [sflag:s22], s20  }
0x9f: {  	s4 =	ssub.s32 $0x0, s20;
	[sflag:s22] =	ssyncset.done $0x0  }
0xa0: {  	[sflag:s22] =	ssyncadd.s32 s4;
	_ =	sdelay $0x1  }
0xa1: {  	s23 =	simm.s32 $0x1B8B  }
0xa2: {  	_ =	swait.ge [sflag:s23], $0x1  }
0xa3: {  	[sflag:s23] =	ssyncset.done $0x0  }
0xa4: {  	s25 =	simm.s32 $0x1B8E;
	s24 =	sld [smem:$0x3FFE];
	[sflag:s23] =	ssyncadd.s32 $0xFFFFFFFF  }
0xa5: {  	s26 =	simm.s32 $execute0_lowered;
	[smem:$0x3FD2] =	sst s25  }
0xa6: {  	s5 =	sshll.u32 s26, $0x1;
	_ =	strace $0x80000049;
	[dreg:$0x1] =	wrdreg $0xFFFFFFFF  }
0xa7: {  	s28 =	simm.s32 $_size_execute0_lowered;
	s3 =	sadd.s32 s3, s5;
	[dreg:$0x0] =	wrdreg $0x0  }
0xa8: {  	s5 =	sshll.u32 s28, $0x1;
	[dreg:$0x2] =	wrdreg s3  }
0xa9: {  	[dreg:$0x3] =	wrdreg s5  }
0xaa: {  	[dreg:$0x4] =	wrdreg $0xC0  }
0xab: {  	_ =	task [dreg:s7], $0x5FFFF  }
0xac: {  	[dreg:$0x1] =	wrdreg $0xFFFFFFFF  }
0xad: {  	[dreg:$0x0] =	wrdreg $0x60  }
0xae: {  	[dreg:$0x2] =	wrdreg s2  }
0xaf: {  	[dreg:$0x3] =	wrdreg s24  }
0xb0: {  	[dreg:$0x4] =	wrdreg $0x84000  }
0xb1: {  	[dreg:$0x5] =	wrdreg $0x9  }
0xb2: {  	_ =	task.clear_ibuf [dreg:s7], $0x6FFFF;
	_ =	strace $0x90000049  }
0xb3: {  	s29 =	simm.s32 $0x9;
	_ =	strace $0x8000004B  }
0xb4: {  	_ =	swait.ge [sflag:s29], $0x1  }
0xb5: {  	[sflag:s29] =	ssyncadd.s32 $0xFFFFFFFF  }
0xb6: {  	_ =	strace $0x9000004B  }
0xb7: {  	_ =	sfence  }
0xb8: {  	s30 =	sld [smem:$0x0];
	_ =	sdelay $0x2  }
0xb9: {  	s31 =	sshll.u32 s1, $0xD;
	s1 =	sshrl.u32 s1, $0x2  }
0xba: {  	s3 =	sand.u32 $0x4000, s31;
	s1 =	sadd.s32 s1, s30  }
0xbb: {  	s0 =	sor.u32 s3, s0;
	s1 =	sshll.u32 s1, $0x11  }
0xbc: {  	s0 =	sor.u32 s1, s0  }
0xbd: {  	s0 =	sadd.s32 $0x8F2B, s0  }
0xbe: {  	[sflag:s0] =	ssyncadd.remote.s32 $0x1  }
0xbf: {  	_ =	sfence.sel $0xFFFF  }
0xc0: {  	[dreg:$0x0] =	wrdreg $0xFFFFFFFF;
	(pc) =	sbr.abs _section_cstart, $3  }
0xc1: {  	[dreg:$0x1] =	wrdreg $0xFFFFFFFF  }
0xc2: {  	_ =	task.clear_ibuf [dreg:s7], $0x2FFFF;
	_ =	strace $0x9FFFFFFF  }
0xc3: {  	(tm) =	ssettm $0x7FFFFFFF  }
tec
execute0_lowered:
.L_overlay_start_1:
0x0: {  	(tag) =	ssettag $0x1  }
0x1: {  	s0 =	rddreg [dreg:$0x0]  }
0x2: {  	s5 =	rddreg [dreg:$0x1];
	s1 =	srdreg.scid  }
0x3: {  	s3 =	rddreg [dreg:$0x2];
	s2 =	stileid.u32;
	s4 =	simm.s32 $0x0  }
0x4: {  	s13 =	simm.s32 $0x400;
	s14 =	simm.s32 $0x3;
	s15 =	simm.s32 $0x80  }
0x5: {  	s16 =	simm.s32 $0x100;
	s17 =	simm.s32 $0x4400;
	s18 =	simm.s32 $0x1  }
0x6: {  	s19 =	simm.s32 $0x2;
	s20 =	simm.s32 $0x180;
	s21 =	simm.s32 $0x200  }
0x7: {  	s22 =	simm.s32 $0x300;
	s23 =	simm.s32 $0x280;
	s8 =	smul.u32 $0x14000, s2  }
0x8: {  	s24 =	simm.s32 $0x380;
	s6 =	sand.u32 $0x1, s1;
	s29 =	smul.u32 $0x50000, s2  }
0x9: {  	s25 =	simm.s32 $0x0;
	s1 =	rddreg [dreg:$0x3];
	s7 =	smul.u32 $0x140000, s6  }
0xa: {  	[smem:$0x7FF] =	sst s4;
	s9 =	smul.u32 $0xA000, s6;
	s6 =	ssub.s32 $0x2, s6  }
0xb: {  	s12 =	smul.u32 $0xA00, s2;
	_ =	strace $0x8000004A;
	s30 =	sshrl.u32 s6, $0x1  }
0xc: {  	s7 =	sadd.s32 s8, s7;
	s11 =	sadd.s32 s9, s5;
	s8 =	sshrl.u32 s29, $0x2  }
0xd: {  	s31 =	ssub.s32 s6, s30;
	s7 =	sshrl.u32 s7, $0x3;
	s12 =	sadd.s32 s12, s11  }
0xe: {  	s7 =	sadd.s32 s7, s5;
	s5 =	sadd.s32 s8, s3;
	s12 =	sadd.s32 $0x2200, s12  }
0xf: {  	s6 =	sadd.s32 $0x16200, s7;
	s7 =	smax.u32 s31, $0x1;
	s8 =	sadd.s32 $0x4000, s5  }
0x10: {  	v0 =	vimm.f32 $0.0e+00;
	s9 =	sadd.s32 $0x8000, s5;
	s10 =	sadd.s32 $0xC000, s5;
	s11 =	sadd.s32 $0x10000, s5  }
.LBB2_1:
0x11: {  	s26 =	simm.s32 $0x0;
	s28 =	simm.s32 $0x200  }
.LBB2_2:
0x12: {  	p0 =	sne.s32 s28, $0xFE00;
	[tilespmem:s26+$0x470] =	vst v0  }
0x13: {  	[tilespmem:s26+$0x400] =	vst v0  }
0x14: {  	[tilespmem:s26+$0x410] =	vst v0  }
.Ltmp0:
0x15: {  	[tilespmem:s26+$0x420] =	vst v0;
	(pc) =	sbr.rel @p0 .LBB2_2-.Ltmp0, $4  }
0x16: {  	[tilespmem:s26+$0x430] =	vst v0  }
0x17: {  	[tilespmem:s26+$0x440] =	vst v0  }
0x18: {  	[tilespmem:s26+$0x450] =	vst v0  }
0x19: {  	[tilespmem:s26+$0x460] =	vst v0;
	s26 =	sshra.s32 s28, $0x2;
	s28 =	sadd.s32 $0x200, s28  }
0x1a: {  	[tilespmem:s26+$0x470] =	vst v0  }
0x1b: {  	[tilespmem:s26+$0x400] =	vst v0  }
0x1c: {  	[tilespmem:s26+$0x410] =	vst v0  }
0x1d: {  	[tilespmem:s26+$0x420] =	vst v0  }
0x1e: {  	[tilespmem:s26+$0x430] =	vst v0  }
0x1f: {  	[tilespmem:s26+$0x440] =	vst v0  }
0x20: {  	[tilespmem:s26+$0x450] =	vst v0  }
0x21: {  	[tilespmem:s26+$0x460] =	vst v0  }
0x22: {  	[spmem:s5] =	stream.linear.scatter [tilespmem:s13], [sflag:$0x3], $0x4000, $0x38;
	[tilespmem:$0x1C400] =	vst v63  }
0x23: {  	_ =	swait.ge [sflag:s14], $0x4000  }
0x24: {  	[sflag:s14] =	ssyncset.done $0x0  }
0x25: {  	[sflag:s14] =	ssyncadd.s32 $0xFFFFC000  }
0x26: {  	[spmem:s8] =	stream.linear.scatter [tilespmem:s13], [sflag:$0x3], $0x4000, $0x38;
	[tilespmem:$0x1C400] =	vst v63  }
0x27: {  	_ =	swait.ge [sflag:s14], $0x4000  }
0x28: {  	[sflag:s14] =	ssyncset.done $0x0  }
0x29: {  	[sflag:s14] =	ssyncadd.s32 $0xFFFFC000  }
0x2a: {  	[spmem:s9] =	stream.linear.scatter [tilespmem:s13], [sflag:$0x3], $0x4000, $0x38;
	[tilespmem:$0x1C400] =	vst v63  }
0x2b: {  	_ =	swait.ge [sflag:s14], $0x4000  }
0x2c: {  	[sflag:s14] =	ssyncset.done $0x0  }
0x2d: {  	[sflag:s14] =	ssyncadd.s32 $0xFFFFC000  }
0x2e: {  	[spmem:s10] =	stream.linear.scatter [tilespmem:s13], [sflag:$0x3], $0x4000, $0x38;
	[tilespmem:$0x1C400] =	vst v63  }
0x2f: {  	_ =	swait.ge [sflag:s14], $0x4000  }
0x30: {  	[sflag:s14] =	ssyncset.done $0x0  }
0x31: {  	[sflag:s14] =	ssyncadd.s32 $0xFFFFC000  }
0x32: {  	[spmem:s11] =	stream.linear.scatter [tilespmem:s13], [sflag:$0x3], $0x4000, $0x38;
	[tilespmem:$0x1C400] =	vst v63  }
0x33: {  	_ =	swait.ge [sflag:s14], $0x4000  }
0x34: {  	[sflag:s14] =	ssyncset.done $0x0  }
0x35: {  	[sflag:s14] =	ssyncadd.s32 $0xFFFFC000  }
0x36: {  	s31 =	sadd.s32 $0x0, s12;
	[bflag:$0x0] =	sbarrier.arrive $0xFFFF  }
0x37: {  	[tilespmem:s4], [sflag:$0x3] =	stream.linear.gather [hbm4b:s31+s4], $0x400, $0x38;
	[tilespmem:$0x1C400] =	vst v63  }
0x38: {  	_ =	swait.ge [sflag:s14], $0x400  }
0x39: {  	[sflag:s14] =	ssyncset.done $0x0  }
0x3a: {  	[sflag:s14] =	ssyncadd.s32 $0xFFFFFC00  }
0x3b: {  	[tilespmem:s13], [sflag:$0x1] =	stream.indirect.gather [hbm4b:s0+s15], $0x80, s4, s15, $0xb8;
	[tilespmem:$0x1C400] =	vst v63  }
0x3c: {  	_ = 	snop  }
0x3d: {  	[tilespmem:s17], [sflag:$0x2] =	stream.indirect.gather [hbm4b:s0+s15], $0x80, s16, s15, $0xb8;
	[tilespmem:$0x1C400] =	vst v63  }
0x3e: {  	_ =	swait.ge [sflag:s18], $0x4000  }
0x3f: {  	[sflag:s18] =	ssyncset.done $0x0  }
0x40: {  	[sflag:s18] =	ssyncadd.s32 $0xFFFFC000  }
0x41: {  	[spmem:s3] =	stream.indirect.scatter.add.f32 [tilespmem:s13], [sflag:$0x3], $0x80, s15, s15, $0xb8;
	[tilespmem:$0x1C400] =	vst v63  }
0x42: {  	_ =	swait.ge [sflag:s14], $0x4000  }
0x43: {  	[sflag:s14] =	ssyncset.done $0x0  }
0x44: {  	[sflag:s14] =	ssyncadd.s32 $0xFFFFC000  }
0x45: {  	_ =	swait.ge [sflag:s19], $0x4000  }
0x46: {  	[sflag:s19] =	ssyncset.done $0x0  }
0x47: {  	[sflag:s19] =	ssyncadd.s32 $0xFFFFC000  }
0x48: {  	[spmem:s3] =	stream.indirect.scatter.add.f32 [tilespmem:s17], [sflag:$0x3], $0x80, s20, s15, $0xb8;
	[tilespmem:$0x1C400] =	vst v63  }
0x49: {  	_ =	swait.ge [sflag:s14], $0x4000  }
0x4a: {  	[sflag:s14] =	ssyncset.done $0x0  }
0x4b: {  	[sflag:s14] =	ssyncadd.s32 $0xFFFFC000  }
0x4c: {  	[tilespmem:s13], [sflag:$0x1] =	stream.indirect.gather [hbm4b:s0+s15], $0x80, s21, s15, $0xb8;
	[tilespmem:$0x1C400] =	vst v63  }
0x4d: {  	_ = 	snop  }
0x4e: {  	[tilespmem:s17], [sflag:$0x2] =	stream.indirect.gather [hbm4b:s0+s15], $0x80, s22, s15, $0xb8;
	[tilespmem:$0x1C400] =	vst v63  }
0x4f: {  	_ =	swait.ge [sflag:s18], $0x4000  }
0x50: {  	[sflag:s18] =	ssyncset.done $0x0  }
0x51: {  	[sflag:s18] =	ssyncadd.s32 $0xFFFFC000  }
0x52: {  	[spmem:s3] =	stream.indirect.scatter.add.f32 [tilespmem:s13], [sflag:$0x3], $0x80, s23, s15, $0xb8;
	[tilespmem:$0x1C400] =	vst v63  }
0x53: {  	_ =	swait.ge [sflag:s14], $0x4000  }
0x54: {  	[sflag:s14] =	ssyncset.done $0x0  }
0x55: {  	[sflag:s14] =	ssyncadd.s32 $0xFFFFC000  }
0x56: {  	_ =	swait.ge [sflag:s19], $0x4000  }
0x57: {  	[sflag:s19] =	ssyncset.done $0x0  }
0x58: {  	[sflag:s19] =	ssyncadd.s32 $0xFFFFC000  }
0x59: {  	[spmem:s3] =	stream.indirect.scatter.add.f32 [tilespmem:s17], [sflag:$0x3], $0x80, s24, s15, $0xb8;
	[tilespmem:$0x1C400] =	vst v63  }
0x5a: {  	_ =	swait.ge [sflag:s14], $0x4000  }
0x5b: {  	s26 =	simm.s32 $0x80;
	s29 =	simm.s32 $0x100;
	[sflag:s14] =	ssyncset.done $0x0  }
.LBB2_4:
0x5c: {  	s30 =	sadd.s32 s26, s12  }
0x5d: {  	[sflag:s14] =	ssyncadd.s32 $0xFFFFC000;
	s26 =	smov.u32 s29;
	s28 =	sadd.s32 $0x80, s29  }
0x5e: {  	[tilespmem:s4], [sflag:$0x3] =	stream.linear.gather [hbm4b:s30+s4], $0x400, $0x38;
	[tilespmem:$0x1C400] =	vst v63  }
0x5f: {  	p0 =	sne.s32 s29, $0x980;
	_ =	swait.ge [sflag:s14], $0x400  }
0x60: {  	[sflag:s14] =	ssyncset.done $0x0  }
0x61: {  	[sflag:s14] =	ssyncadd.s32 $0xFFFFFC00  }
0x62: {  	[tilespmem:s13], [sflag:$0x1] =	stream.indirect.gather [hbm4b:s0+s15], $0x80, s4, s15, $0xb8;
	[tilespmem:$0x1C400] =	vst v63  }
0x63: {  	_ = 	snop  }
0x64: {  	[tilespmem:s17], [sflag:$0x2] =	stream.indirect.gather [hbm4b:s0+s15], $0x80, s16, s15, $0xb8;
	[tilespmem:$0x1C400] =	vst v63  }
0x65: {  	_ =	swait.ge [sflag:s18], $0x4000  }
0x66: {  	[sflag:s18] =	ssyncset.done $0x0  }
0x67: {  	[sflag:s18] =	ssyncadd.s32 $0xFFFFC000  }
0x68: {  	[spmem:s3] =	stream.indirect.scatter.add.f32 [tilespmem:s13], [sflag:$0x3], $0x80, s15, s15, $0xb8;
	[tilespmem:$0x1C400] =	vst v63  }
0x69: {  	_ =	swait.ge [sflag:s14], $0x4000  }
0x6a: {  	[sflag:s14] =	ssyncset.done $0x0  }
0x6b: {  	[sflag:s14] =	ssyncadd.s32 $0xFFFFC000  }
0x6c: {  	_ =	swait.ge [sflag:s19], $0x4000  }
0x6d: {  	[sflag:s19] =	ssyncset.done $0x0  }
0x6e: {  	[sflag:s19] =	ssyncadd.s32 $0xFFFFC000  }
0x6f: {  	[spmem:s3] =	stream.indirect.scatter.add.f32 [tilespmem:s17], [sflag:$0x3], $0x80, s20, s15, $0xb8;
	[tilespmem:$0x1C400] =	vst v63  }
0x70: {  	_ =	swait.ge [sflag:s14], $0x4000  }
0x71: {  	[sflag:s14] =	ssyncset.done $0x0  }
0x72: {  	[sflag:s14] =	ssyncadd.s32 $0xFFFFC000  }
0x73: {  	[tilespmem:s13], [sflag:$0x1] =	stream.indirect.gather [hbm4b:s0+s15], $0x80, s21, s15, $0xb8;
	[tilespmem:$0x1C400] =	vst v63  }
0x74: {  	_ = 	snop  }
0x75: {  	[tilespmem:s17], [sflag:$0x2] =	stream.indirect.gather [hbm4b:s0+s15], $0x80, s22, s15, $0xb8;
	[tilespmem:$0x1C400] =	vst v63  }
0x76: {  	_ =	swait.ge [sflag:s18], $0x4000  }
0x77: {  	[sflag:s18] =	ssyncset.done $0x0  }
0x78: {  	[sflag:s18] =	ssyncadd.s32 $0xFFFFC000  }
0x79: {  	[spmem:s3] =	stream.indirect.scatter.add.f32 [tilespmem:s13], [sflag:$0x3], $0x80, s23, s15, $0xb8;
	[tilespmem:$0x1C400] =	vst v63  }
0x7a: {  	_ =	swait.ge [sflag:s14], $0x4000  }
0x7b: {  	[sflag:s14] =	ssyncset.done $0x0  }
0x7c: {  	[sflag:s14] =	ssyncadd.s32 $0xFFFFC000  }
0x7d: {  	_ =	swait.ge [sflag:s19], $0x4000  }
.Ltmp1:
0x7e: {  	[sflag:s19] =	ssyncset.done $0x0;
	(pc) =	sbr.rel @p0 .LBB2_4-.Ltmp1, $4  }
0x7f: {  	[sflag:s19] =	ssyncadd.s32 $0xFFFFC000  }
0x80: {  	[spmem:s3] =	stream.indirect.scatter.add.f32 [tilespmem:s17], [sflag:$0x3], $0x80, s24, s15, $0xb8;
	[tilespmem:$0x1C400] =	vst v63  }
0x81: {  	_ =	swait.ge [sflag:s14], $0x4000  }
0x82: {  	s29 =	smov.u32 s28;
	[sflag:s14] =	ssyncset.done $0x0  }
0x83: {  	s26 =	sadd.s32 s26, s12;
	[sflag:s14] =	ssyncadd.s32 $0xFFFFC000  }
0x84: {  	[tilespmem:s4], [sflag:$0x3] =	stream.linear.gather [hbm4b:s26+s4], $0x400, $0x38;
	[tilespmem:$0x1C400] =	vst v63  }
0x85: {  	_ =	swait.ge [sflag:s14], $0x400  }
0x86: {  	[sflag:s14] =	ssyncset.done $0x0  }
0x87: {  	[sflag:s14] =	ssyncadd.s32 $0xFFFFFC00  }
0x88: {  	[tilespmem:s13], [sflag:$0x1] =	stream.indirect.gather [hbm4b:s0+s15], $0x80, s4, s15, $0xb8;
	[tilespmem:$0x1C400] =	vst v63  }
0x89: {  	_ = 	snop  }
0x8a: {  	[tilespmem:s17], [sflag:$0x2] =	stream.indirect.gather [hbm4b:s0+s15], $0x80, s16, s15, $0xb8;
	[tilespmem:$0x1C400] =	vst v63  }
0x8b: {  	_ =	swait.ge [sflag:s18], $0x4000  }
0x8c: {  	[sflag:s18] =	ssyncset.done $0x0  }
0x8d: {  	[sflag:s18] =	ssyncadd.s32 $0xFFFFC000  }
0x8e: {  	[spmem:s3] =	stream.indirect.scatter.add.f32 [tilespmem:s13], [sflag:$0x3], $0x80, s15, s15, $0xb8;
	[tilespmem:$0x1C400] =	vst v63  }
0x8f: {  	_ =	swait.ge [sflag:s14], $0x4000  }
0x90: {  	[sflag:s14] =	ssyncset.done $0x0  }
0x91: {  	[sflag:s14] =	ssyncadd.s32 $0xFFFFC000  }
0x92: {  	_ =	swait.ge [sflag:s19], $0x4000  }
0x93: {  	[sflag:s19] =	ssyncset.done $0x0  }
0x94: {  	[sflag:s19] =	ssyncadd.s32 $0xFFFFC000  }
0x95: {  	[spmem:s3] =	stream.indirect.scatter.add.f32 [tilespmem:s17], [sflag:$0x3], $0x80, s20, s15, $0xb8;
	[tilespmem:$0x1C400] =	vst v63  }
0x96: {  	_ =	swait.ge [sflag:s14], $0x4000  }
0x97: {  	[sflag:s14] =	ssyncset.done $0x0  }
0x98: {  	[sflag:s14] =	ssyncadd.s32 $0xFFFFC000  }
0x99: {  	[tilespmem:s13], [sflag:$0x1] =	stream.indirect.gather [hbm4b:s0+s15], $0x80, s21, s15, $0xb8;
	[tilespmem:$0x1C400] =	vst v63  }
0x9a: {  	_ = 	snop  }
0x9b: {  	[tilespmem:s17], [sflag:$0x2] =	stream.indirect.gather [hbm4b:s0+s15], $0x80, s22, s15, $0xb8;
	[tilespmem:$0x1C400] =	vst v63  }
0x9c: {  	_ =	swait.ge [sflag:s18], $0x4000  }
0x9d: {  	[sflag:s18] =	ssyncset.done $0x0  }
0x9e: {  	[sflag:s18] =	ssyncadd.s32 $0xFFFFC000  }
0x9f: {  	[spmem:s3] =	stream.indirect.scatter.add.f32 [tilespmem:s13], [sflag:$0x3], $0x80, s23, s15, $0xb8;
	[tilespmem:$0x1C400] =	vst v63  }
0xa0: {  	_ =	swait.ge [sflag:s14], $0x4000  }
0xa1: {  	[sflag:s14] =	ssyncset.done $0x0  }
0xa2: {  	[sflag:s14] =	ssyncadd.s32 $0xFFFFC000  }
0xa3: {  	_ =	swait.ge [sflag:s19], $0x4000  }
0xa4: {  	[sflag:s19] =	ssyncset.done $0x0  }
0xa5: {  	[sflag:s19] =	ssyncadd.s32 $0xFFFFC000  }
0xa6: {  	[spmem:s3] =	stream.indirect.scatter.add.f32 [tilespmem:s17], [sflag:$0x3], $0x80, s24, s15, $0xb8;
	[tilespmem:$0x1C400] =	vst v63  }
0xa7: {  	_ =	swait.ge [sflag:s14], $0x4000  }
0xa8: {  	s31 =	sshll.u32 s2, $0x6;
	s25 =	sadd.s32 $0x1, s25;
	[sflag:s14] =	ssyncset.done $0x0  }
0xa9: {  	s28 =	sshrl.u32 s5, $0x3;
	p0 =	sne.s32 s25, s7;
	[sflag:s14] =	ssyncadd.s32 $0xFFFFC000  }
.Ltmp2:
0xaa: {  	s26 =	sor.u32 $0x1C03, s31;
	[bflag:$0x0] =	sbarrier.arrive $0xFFFF;
	(pc) =	sbr.rel @p0 .LBB2_1-.Ltmp2, $4  }
0xab: {  	[hbm:s6], [sflag:s26] =	dma.local [spmem:s28], $0x2800  }
0xac: {  	_ =	swait.ge [sflag:s14], $0x2800  }
0xad: {  	[sflag:s14] =	ssyncset.done $0x0  }
0xae: {  	[sflag:s14] =	ssyncadd.s32 $0xFFFFD800  }
0xaf: {  	_ =	sfence.sel $0x180000  }
0xb0: {  	[bflag:$0x0] =	sbarrier.arrive $0xFFFF  }
0xb1: {  	p0 =	sne.s32 s2, $0x0;
	_ =	strace $0x9000004A  }
0xb2: {  	s0 =	sadd.s32 @!p0 $0x100000, s1;
	[bflag:$0x2] =	sbarrier.arrive $0xFFFF  }
0xb3: {  	[sflag:s0] =	ssyncadd.tile.s32 @!p0 $0x1;
	_ =	shalt  }
.Lfunc_end2:
_tile_overlayer_lowered:
.L_overlay_start_2:
0xb4: {  	(tag) =	ssettag $0x2  }
0xb5: {  	s0 =	rddreg [dreg:$0x0];
	s2 =	stileid.u32  }
0xb6: {  	s1 =	rddreg [dreg:$0x1];
	p0 =	sne.s32 s2, $0x0  }
0xb7: {  	s3 =	rddreg [dreg:$0x2];
	[bflag:$0x3] =	sbarrier.arrive $0xFFFF;
	s2 =	simm.s32 @!p0 $0x1C03  }
0xb8: {  	[timem:s3], [sflag:s2] =	dma.local @!p0 [hbm:s0], s1  }
0xb9: {  	s0 =	simm.s32 @!p0 $0x3  }
0xba: {  	_ =	swait.ge @!p0 [sflag:s0], s1  }
0xbb: {  	s1 =	ssub.s32 @!p0 $0x0, s1;
	[sflag:s0] =	ssyncset.done @!p0 $0x0  }
0xbc: {  	[sflag:s0] =	ssyncadd.s32 @!p0 s1  }
0xbd: {  	[bflag:$0x3] =	sbarrier.arrive $0xFFFF  }
0xbe: {  	_ =	shalt  }

// kernel: sage_agg_cnt.3.cloned.1.call-start
scs
__scs_entry_jumppad:
0x0: {  	(pc) =	sbr.rel $0x88, $3  }
0x1: {  	(tag) =	ssettag $0x0;
	lr =	simm.s32 $0x1  }
0x2: {  	[smem:$0x3F99] =	sst lr;
	_ =	strace $0xD0000000  }
0x3: {  	_ = 	snop  }
0x4: {  	_ = 	snop  }
0x5: {  	_ = 	snop  }
0x6: {  	_ = 	snop  }
0x7: {  	_ = 	snop  }
__scs_overlays_trampoline_lowered:
0x8: {  	[smem:$0x3FA8] =	sst s0  }
0x9: {  	[smem:$0x3FA9] =	sst s1  }
0xa: {  	[smem:$0x3FAA] =	sst s2  }
0xb: {  	[smem:$0x3FAB] =	sst s3  }
0xc: {  	[smem:$0x3FAC] =	sst s4  }
0xd: {  	[smem:$0x3FAD] =	sst s5  }
0xe: {  	[smem:$0x3FAE] =	sst s6  }
0xf: {  	[smem:$0x3FAF] =	sst s7  }
0x10: {  	[smem:$0x3FB0] =	sst s8  }
0x11: {  	[smem:$0x3FB1] =	sst s9;
	s0 =	simm.s32 @!p0 $0x0  }
0x12: {  	s1 =	sld [smem:$0x3F97];
	s0 =	simm.s32 @p0 $0x1  }
0x13: {  	[smem:$0x3FB2] =	sst s0;
	s0 =	simm.s32 @!p1 $0x0  }
0x14: {  	s2 =	sld [smem:$0x3F96];
	s0 =	simm.s32 @p1 $0x1  }
0x15: {  	[smem:$0x3FB3] =	sst s0;
	s0 =	simm.s32 @!p2 $0x0  }
0x16: {  	s3 =	sld [smem:$0x3FDB];
	s0 =	simm.s32 @p2 $0x1  }
0x17: {  	s4 =	simm.s32 $0x1BF5;
	[smem:$0x3FB5] =	sst s0  }
0x18: {  	s0 =	sld [smem:$0x3F98];
	_ =	swait.ge [sflag:s4], $0x0  }
0x19: {  	s7 =	sld [smem:$0x3F99]  }
0x1a: {  	s8 =	sadd.s32 $0xFFFFE003, lr  }
0x1b: {  	s9 =	sadd.s32 $0xFFFFFEF7, lr;
	s5 =	simm.s32 $0xFFFFFFFF;
	p2 =	slt.u32 s8, $0xFFFFF086  }
0x1c: {  	p1 =	slt.u32 s9, $0xF7A;
	s5 =	simm.s32 @!p2 $0x0  }
0x1d: {  	s5 =	simm.s32 @p1 $0x1;
	p0 =	seq.s32 s7, s2  }
0x1e: {  	s7 =	smul.u32 @!p0 $0xF7A, s2;
	p2 =	seq.s32 @!p0 s5, $0x0  }
0x1f: {  	s9 =	smul.u32 $0xF7A, s1;
	s8 =	simm.s32 @!p0 $0x1BF5;
	p2 =	por !p2, p0  }
0x20: {  	[sflag:s8] =	ssyncset.s32 @!p0 $0xFFFFF086;
	s6 =	sadd.s32 @!p0 s3, s7;
	s7 =	simm.s32 @!p0 $0x108  }
0x21: {  	s3 =	sadd.s32 s3, s9;
	s6 =	sadd.s32 @!p0 $0x88, s6;
	s7 =	simm.s32 @p2 $0x1082  }
0x22: {  	[simem:s7], [sflag:s8] =	dma.local @!p0 [hbm:s6], $0xF7A  }
0x23: {  	s9 =	sor.u32 $0xD0000000, s2;
	s6 =	simm.s32 $0x108;
	_ =	swait.ge @!p0 [sflag:s8], $0x0  }
0x24: {  	s3 =	sadd.s32 $0x88, s3;
	s6 =	simm.s32 @!p1 $0x1082;
	[sflag:s4] =	ssyncset.s32 $0xFFFFF086  }
0x25: {  	[simem:s6], [sflag:s4] =	dma.local [hbm:s3], $0xF7A  }
0x26: {  	[smem:$0x3F99] =	sst s1;
	(tag) =	ssettag s2;
	_ =	strace s9  }
0x27: {  	s1 =	sld [smem:$0x3FA9]  }
0x28: {  	s2 =	sld [smem:$0x3FAA]  }
0x29: {  	s4 =	sld [smem:$0x3FAC]  }
0x2a: {  	p0 =	seq.s32 s5, $0x0;
	s5 =	sld [smem:$0x3FAD]  }
0x2b: {  	s6 =	sld [smem:$0x3FAE]  }
0x2c: {  	s7 =	sld [smem:$0x3FAF]  }
0x2d: {  	s3 =	simm.s32 $0x108;
	s8 =	sld [smem:$0x3FB0]  }
0x2e: {  	s3 =	simm.s32 @!p0 $0x1082;
	s9 =	sld [smem:$0x3FB1]  }
0x2f: {  	lr =	sadd.s32 s0, s3;
	s0 =	sld [smem:$0x3FA8]  }
0x30: {  	s3 =	sld [smem:$0x3FAB]  }
0x31: {  	[smem:$0x3FB4] =	sst s10  }
0x32: {  	s10 =	sld [smem:$0x3FB2];
	_ =	sdelay $0x3  }
0x33: {  	p0 =	seq.s32 s10, $0x1;
	s10 =	sld [smem:$0x3FB4];
	_ =	sdelay $0x3  }
0x34: {  	[smem:$0x3FB4] =	sst s10  }
0x35: {  	s10 =	sld [smem:$0x3FB3];
	_ =	sdelay $0x3  }
0x36: {  	p1 =	seq.s32 s10, $0x1;
	s10 =	sld [smem:$0x3FB4];
	_ =	sdelay $0x3  }
0x37: {  	[smem:$0x3FB4] =	sst s10  }
0x38: {  	s10 =	sld [smem:$0x3FB5]  }
0x39: {  	_ = 	snop;
	(pc) =	sbr.ind lr, $3  }
0x3a: {  	_ = 	snop  }
0x3b: {  	_ = 	snop  }
0x3c: {  	p2 =	seq.s32 s10, $0x1;
	s10 =	sld [smem:$0x3FB4]  }
0x3d: {  	_ =	shalt  }
0x3e: {  	_ =	shalt  }
0x3f: {  	_ =	shalt  }
0x40: {  	_ =	shalt  }
0x41: {  	_ =	shalt  }
0x42: {  	_ =	shalt  }
0x43: {  	_ =	shalt  }
0x44: {  	_ =	shalt  }
0x45: {  	_ =	shalt  }
0x46: {  	_ =	shalt  }
0x47: {  	_ =	shalt  }
0x48: {  	_ =	shalt  }
0x49: {  	_ =	shalt  }
0x4a: {  	_ =	shalt  }
0x4b: {  	_ =	shalt  }
0x4c: {  	_ =	shalt  }
0x4d: {  	_ =	shalt  }
0x4e: {  	_ =	shalt  }
0x4f: {  	_ =	shalt  }
0x50: {  	_ =	shalt  }
0x51: {  	_ =	shalt  }
0x52: {  	_ =	shalt  }
0x53: {  	_ =	shalt  }
0x54: {  	_ =	shalt  }
0x55: {  	_ =	shalt  }
0x56: {  	_ =	shalt  }
0x57: {  	_ =	shalt  }
0x58: {  	_ =	shalt  }
0x59: {  	_ =	shalt  }
0x5a: {  	_ =	shalt  }
0x5b: {  	_ =	shalt  }
0x5c: {  	_ =	shalt  }
0x5d: {  	_ =	shalt  }
0x5e: {  	_ =	shalt  }
0x5f: {  	_ =	shalt  }
0x60: {  	_ =	shalt  }
0x61: {  	_ =	shalt  }
0x62: {  	_ =	shalt  }
0x63: {  	_ =	shalt  }
0x64: {  	_ =	shalt  }
0x65: {  	_ =	shalt  }
0x66: {  	_ =	shalt  }
0x67: {  	_ =	shalt  }
0x68: {  	_ =	shalt  }
0x69: {  	_ =	shalt  }
0x6a: {  	_ =	shalt  }
0x6b: {  	_ =	shalt  }
0x6c: {  	_ =	shalt  }
0x6d: {  	_ =	shalt  }
0x6e: {  	_ =	shalt  }
0x6f: {  	_ =	shalt  }
0x70: {  	_ =	shalt  }
0x71: {  	_ =	shalt  }
0x72: {  	_ =	shalt  }
0x73: {  	_ =	shalt  }
0x74: {  	_ =	shalt  }
0x75: {  	_ =	shalt  }
0x76: {  	_ =	shalt  }
0x77: {  	_ =	shalt  }
0x78: {  	_ =	shalt  }
0x79: {  	_ =	shalt  }
0x7a: {  	_ =	shalt  }
0x7b: {  	_ =	shalt  }
0x7c: {  	_ =	shalt  }
0x7d: {  	_ =	shalt  }
0x7e: {  	_ =	shalt  }
0x7f: {  	_ =	shalt  }
0x80: {  	_ =	shalt  }
0x81: {  	_ =	shalt  }
0x82: {  	_ =	shalt  }
0x83: {  	_ =	shalt  }
0x84: {  	_ =	shalt  }
0x85: {  	_ =	shalt  }
0x86: {  	_ =	shalt  }
0x87: {  	_ =	shalt  }
.Lfunc_end0:
.L_simem_size_0:
called_computation_lowered:
.L_overlay_start_0:
0x88: {  	s2 =	sld [smem:$0x3FD9]  }
0x89: {  	s3 =	sld [smem:$0x3FFE];
	_ =	sdelay $0x1  }
0x8a: {  	s1 =	srdreg.scid  }
0x8b: {  	s0 =	sand.u32 $0x1, s1  }
0x8c: {  	s17 =	sshll.u32 s0, $0xA;
	s2 =	sadd.s32 s3, s2  }
0x8d: {  	s2 =	sadd.s32 s2, s17  }
0x8e: {  	[smem:$0x3FC0] =	sst s2  }
0x8f: {  	_ = 	snop  }
0x90: {  	s2 =	sld [smem:$0x3FC9];
	(tm) =	ssettm $0x1  }
0x91: {  	s18 =	sld [smem:$0x3FFB];
	_ =	sdelay $0x3  }
0x92: {  	_ =	strace s18  }
0x93: {  	s3 =	sld [smem:$0x3FFC];
	_ =	sdelay $0x3  }
0x94: {  	_ =	strace s3  }
0x95: {  	s3 =	sld [smem:$0x3FFD];
	_ =	sdelay $0x3  }
0x96: {  	_ =	strace s3  }
0x97: {  	_ =	strace $0x8FFFFFFF  }
0x98: {  	s19 =	sld [smem:$0x3FDB];
	_ =	sdelay $0x1  }
0x99: {  	s4 =	simm.s32 $_scs_section_size  }
0x9a: {  	s5 =	simm.s32 $_size__tile_overlayer_lowered;
	s6 =	simm.s32 $_tile_overlayer_lowered  }
0x9b: {  	s22 =	simm.s32 $0x1BFF;
	s21 =	sshll.u32 s6, $0x1;
	s3 =	sadd.s32 s4, s19  }
0x9c: {  	s7 =	simm.s32 $0x0;
	s20 =	sshll.u32 s5, $0x1;
	s5 =	sadd.s32 s21, s3  }
0x9d: {  	[timem:s7], [sflag:s22] =	dma.local [hbm:s5], s20  }
0x9e: {  	_ =	swait.ge [sflag:s22], s20  }
0x9f: {  	s4 =	ssub.s32 $0x0, s20;
	[sflag:s22] =	ssyncset.done $0x0  }
0xa0: {  	[sflag:s22] =	ssyncadd.s32 s4;
	_ =	sdelay $0x1  }
0xa1: {  	s23 =	simm.s32 $0x1B8B  }
0xa2: {  	_ =	swait.ge [sflag:s23], $0x1  }
0xa3: {  	[sflag:s23] =	ssyncset.done $0x0  }
0xa4: {  	s25 =	simm.s32 $0x1B8E;
	s24 =	sld [smem:$0x3FFE];
	[sflag:s23] =	ssyncadd.s32 $0xFFFFFFFF  }
0xa5: {  	s26 =	simm.s32 $execute0_lowered;
	[smem:$0x3FD2] =	sst s25  }
0xa6: {  	s5 =	sshll.u32 s26, $0x1;
	_ =	strace $0x80000046;
	[dreg:$0x1] =	wrdreg $0xFFFFFFFF  }
0xa7: {  	s28 =	simm.s32 $_size_execute0_lowered;
	s3 =	sadd.s32 s3, s5;
	[dreg:$0x0] =	wrdreg $0x0  }
0xa8: {  	s5 =	sshll.u32 s28, $0x1;
	[dreg:$0x2] =	wrdreg s3  }
0xa9: {  	[dreg:$0x3] =	wrdreg s5  }
0xaa: {  	[dreg:$0x4] =	wrdreg $0xC0  }
0xab: {  	_ =	task [dreg:s7], $0x5FFFF  }
0xac: {  	[dreg:$0x1] =	wrdreg $0xFFFFFFFF  }
0xad: {  	[dreg:$0x0] =	wrdreg $0x60  }
0xae: {  	[dreg:$0x2] =	wrdreg s2  }
0xaf: {  	[dreg:$0x3] =	wrdreg s24  }
0xb0: {  	[dreg:$0x4] =	wrdreg $0x84000  }
0xb1: {  	[dreg:$0x5] =	wrdreg $0x9  }
0xb2: {  	_ =	task.clear_ibuf [dreg:s7], $0x6FFFF;
	_ =	strace $0x90000046  }
0xb3: {  	s29 =	simm.s32 $0x9;
	_ =	strace $0x80000048  }
0xb4: {  	_ =	swait.ge [sflag:s29], $0x1  }
0xb5: {  	[sflag:s29] =	ssyncadd.s32 $0xFFFFFFFF  }
0xb6: {  	_ =	strace $0x90000048  }
0xb7: {  	_ =	sfence  }
0xb8: {  	s30 =	sld [smem:$0x0];
	_ =	sdelay $0x2  }
0xb9: {  	s31 =	sshll.u32 s1, $0xD;
	s1 =	sshrl.u32 s1, $0x2  }
0xba: {  	s3 =	sand.u32 $0x4000, s31;
	s1 =	sadd.s32 s1, s30  }
0xbb: {  	s0 =	sor.u32 s3, s0;
	s1 =	sshll.u32 s1, $0x11  }
0xbc: {  	s0 =	sor.u32 s1, s0  }
0xbd: {  	s0 =	sadd.s32 $0x8F2B, s0  }
0xbe: {  	[sflag:s0] =	ssyncadd.remote.s32 $0x1  }
0xbf: {  	_ =	sfence.sel $0xFFFF  }
0xc0: {  	[dreg:$0x0] =	wrdreg $0xFFFFFFFF;
	(pc) =	sbr.abs _section_cstart, $3  }
0xc1: {  	[dreg:$0x1] =	wrdreg $0xFFFFFFFF  }
0xc2: {  	_ =	task.clear_ibuf [dreg:s7], $0x2FFFF;
	_ =	strace $0x9FFFFFFF  }
0xc3: {  	(tm) =	ssettm $0x7FFFFFFF  }
tec
execute0_lowered:
.L_overlay_start_1:
0x0: {  	(tag) =	ssettag $0x1  }
0x1: {  	s1 =	rddreg [dreg:$0x0]  }
0x2: {  	s0 =	rddreg [dreg:$0x1]  }
0x3: {  	s2 =	rddreg [dreg:$0x2]  }
0x4: {  	s3 =	srdreg.scid;
	s4 =	simm.s32 $0x0;
	s26 =	stileid.u32  }
0x5: {  	s14 =	simm.s32 $0x400;
	s15 =	simm.s32 $0x3;
	s16 =	simm.s32 $0x80  }
0x6: {  	s17 =	simm.s32 $0x180;
	s18 =	simm.s32 $0x280;
	s19 =	simm.s32 $0x380  }
0x7: {  	s20 =	simm.s32 $0x100;
	s21 =	simm.s32 $0x4400;
	s7 =	smul.u32 $0x14000, s26  }
0x8: {  	s22 =	simm.s32 $0x1;
	s23 =	simm.s32 $0x2;
	s28 =	smul.u32 $0x50000, s26  }
0x9: {  	s24 =	simm.s32 $0x200;
	s5 =	sand.u32 $0x1, s3;
	s13 =	smul.u32 $0xA00, s26  }
0xa: {  	s25 =	simm.s32 $0x300;
	[smem:$0x7FF] =	sst s4;
	s6 =	smul.u32 $0x140000, s5  }
0xb: {  	s26 =	simm.s32 $0x0;
	s8 =	smul.u32 $0xA000, s5;
	s5 =	ssub.s32 $0x2, s5  }
0xc: {  	_ =	strace $0x80000047;
	s29 =	sshrl.u32 s5, $0x1;
	s30 =	sshrl.u32 s28, $0x2  }
0xd: {  	s6 =	sadd.s32 s7, s6;
	s12 =	sadd.s32 s8, s0;
	s8 =	ssub.s32 s5, s29  }
0xe: {  	s5 =	sadd.s32 s30, s2;
	s6 =	sshrl.u32 s6, $0x3;
	s8 =	smax.u32 s8, $0x1  }
0xf: {  	s9 =	sadd.s32 $0x4000, s5;
	s10 =	sadd.s32 $0x8000, s5;
	s11 =	sadd.s32 $0xC000, s5  }
0x10: {  	s31 =	sadd.s32 s13, s12;
	s12 =	sadd.s32 $0x10000, s5;
	s0 =	sadd.s32 s6, s0  }
0x11: {  	v0 =	vimm.f32 $0.0e+00;
	v1 =	vimm.f32 $1.000000000e+00;
	s13 =	sadd.s32 $0x2200, s31;
	s6 =	sadd.s32 $0x66200, s0;
	s7 =	sadd.s32 $0x16200, s0  }
.LBB2_1:
0x12: {  	s28 =	simm.s32 $0x0;
	s29 =	simm.s32 $0x200  }
.LBB2_2:
0x13: {  	p0 =	sne.s32 s29, $0xFE00;
	[tilespmem:s28+$0x470] =	vst v0  }
0x14: {  	[tilespmem:s28+$0x400] =	vst v0  }
0x15: {  	[tilespmem:s28+$0x410] =	vst v0  }
.Ltmp0:
0x16: {  	[tilespmem:s28+$0x420] =	vst v0;
	(pc) =	sbr.rel @p0 .LBB2_2-.Ltmp0, $4  }
0x17: {  	[tilespmem:s28+$0x430] =	vst v0  }
0x18: {  	[tilespmem:s28+$0x440] =	vst v0  }
0x19: {  	[tilespmem:s28+$0x450] =	vst v0  }
0x1a: {  	[tilespmem:s28+$0x460] =	vst v0;
	s28 =	sshra.s32 s29, $0x2;
	s29 =	sadd.s32 $0x200, s29  }
0x1b: {  	[tilespmem:s28+$0x470] =	vst v0  }
0x1c: {  	[tilespmem:s28+$0x400] =	vst v0  }
0x1d: {  	[tilespmem:s28+$0x410] =	vst v0  }
0x1e: {  	[tilespmem:s28+$0x420] =	vst v0  }
0x1f: {  	[tilespmem:s28+$0x430] =	vst v0  }
0x20: {  	[tilespmem:s28+$0x440] =	vst v0  }
0x21: {  	[tilespmem:s28+$0x450] =	vst v0  }
0x22: {  	[tilespmem:s28+$0x460] =	vst v0  }
0x23: {  	[spmem:s5] =	stream.linear.scatter [tilespmem:s14], [sflag:$0x3], $0x4000, $0x38;
	[tilespmem:$0x1C400] =	vst v63  }
0x24: {  	_ =	swait.ge [sflag:s15], $0x4000  }
0x25: {  	[sflag:s15] =	ssyncset.done $0x0  }
0x26: {  	[sflag:s15] =	ssyncadd.s32 $0xFFFFC000  }
0x27: {  	[spmem:s9] =	stream.linear.scatter [tilespmem:s14], [sflag:$0x3], $0x4000, $0x38;
	[tilespmem:$0x1C400] =	vst v63  }
0x28: {  	_ =	swait.ge [sflag:s15], $0x4000  }
0x29: {  	[sflag:s15] =	ssyncset.done $0x0  }
0x2a: {  	[sflag:s15] =	ssyncadd.s32 $0xFFFFC000  }
0x2b: {  	[spmem:s10] =	stream.linear.scatter [tilespmem:s14], [sflag:$0x3], $0x4000, $0x38;
	[tilespmem:$0x1C400] =	vst v63  }
0x2c: {  	_ =	swait.ge [sflag:s15], $0x4000  }
0x2d: {  	[sflag:s15] =	ssyncset.done $0x0  }
0x2e: {  	[sflag:s15] =	ssyncadd.s32 $0xFFFFC000  }
0x2f: {  	[spmem:s11] =	stream.linear.scatter [tilespmem:s14], [sflag:$0x3], $0x4000, $0x38;
	[tilespmem:$0x1C400] =	vst v63  }
0x30: {  	_ =	swait.ge [sflag:s15], $0x4000  }
0x31: {  	[sflag:s15] =	ssyncset.done $0x0  }
0x32: {  	[sflag:s15] =	ssyncadd.s32 $0xFFFFC000  }
0x33: {  	[spmem:s12] =	stream.linear.scatter [tilespmem:s14], [sflag:$0x3], $0x4000, $0x38;
	[tilespmem:$0x1C400] =	vst v63  }
0x34: {  	_ =	swait.ge [sflag:s15], $0x4000  }
0x35: {  	[sflag:s15] =	ssyncset.done $0x0  }
0x36: {  	s28 =	simm.s32 $0x0;
	s29 =	simm.s32 $0x200;
	[sflag:s15] =	ssyncadd.s32 $0xFFFFC000  }
.LBB2_4:
0x37: {  	p0 =	sne.s32 s29, $0xFE00;
	[tilespmem:s28+$0x470] =	vst v1  }
0x38: {  	[tilespmem:s28+$0x400] =	vst v1  }
0x39: {  	[tilespmem:s28+$0x410] =	vst v1  }
.Ltmp1:
0x3a: {  	[tilespmem:s28+$0x420] =	vst v1;
	(pc) =	sbr.rel @p0 .LBB2_4-.Ltmp1, $4  }
0x3b: {  	[tilespmem:s28+$0x430] =	vst v1  }
0x3c: {  	[tilespmem:s28+$0x440] =	vst v1  }
0x3d: {  	[tilespmem:s28+$0x450] =	vst v1  }
0x3e: {  	[tilespmem:s28+$0x460] =	vst v1;
	s28 =	sshra.s32 s29, $0x2;
	s29 =	sadd.s32 $0x200, s29  }
0x3f: {  	[tilespmem:s28+$0x470] =	vst v1  }
0x40: {  	[tilespmem:s28+$0x400] =	vst v1  }
0x41: {  	[tilespmem:s28+$0x410] =	vst v1  }
0x42: {  	[tilespmem:s28+$0x420] =	vst v1  }
0x43: {  	[tilespmem:s28+$0x430] =	vst v1  }
0x44: {  	[tilespmem:s28+$0x440] =	vst v1  }
0x45: {  	[tilespmem:s28+$0x450] =	vst v1  }
0x46: {  	[tilespmem:s28+$0x460] =	vst v1  }
0x47: {  	s0 =	sadd.s32 $0x0, s13;
	[bflag:$0x0] =	sbarrier.arrive $0xFFFF  }
0x48: {  	[tilespmem:s4], [sflag:$0x3] =	stream.linear.gather [hbm4b:s0+s4], $0x400, $0x38;
	[tilespmem:$0x1C400] =	vst v63  }
0x49: {  	_ =	swait.ge [sflag:s15], $0x400  }
0x4a: {  	[sflag:s15] =	ssyncset.done $0x0  }
0x4b: {  	[sflag:s15] =	ssyncadd.s32 $0xFFFFFC00  }
0x4c: {  	[spmem:s2] =	stream.indirect.scatter.add.f32 [tilespmem:s14], [sflag:$0x3], $0x80, s16, s16, $0xb8;
	[tilespmem:$0x1C400] =	vst v63  }
0x4d: {  	_ =	swait.ge [sflag:s15], $0x4000  }
0x4e: {  	[sflag:s15] =	ssyncset.done $0x0  }
0x4f: {  	[sflag:s15] =	ssyncadd.s32 $0xFFFFC000  }
0x50: {  	[spmem:s2] =	stream.indirect.scatter.add.f32 [tilespmem:s14], [sflag:$0x3], $0x80, s17, s16, $0xb8;
	[tilespmem:$0x1C400] =	vst v63  }
0x51: {  	_ =	swait.ge [sflag:s15], $0x4000  }
0x52: {  	[sflag:s15] =	ssyncset.done $0x0  }
0x53: {  	[sflag:s15] =	ssyncadd.s32 $0xFFFFC000  }
0x54: {  	[spmem:s2] =	stream.indirect.scatter.add.f32 [tilespmem:s14], [sflag:$0x3], $0x80, s18, s16, $0xb8;
	[tilespmem:$0x1C400] =	vst v63  }
0x55: {  	_ =	swait.ge [sflag:s15], $0x4000  }
0x56: {  	[sflag:s15] =	ssyncset.done $0x0  }
0x57: {  	[sflag:s15] =	ssyncadd.s32 $0xFFFFC000  }
0x58: {  	[spmem:s2] =	stream.indirect.scatter.add.f32 [tilespmem:s14], [sflag:$0x3], $0x80, s19, s16, $0xb8;
	[tilespmem:$0x1C400] =	vst v63  }
0x59: {  	_ =	swait.ge [sflag:s15], $0x4000  }
0x5a: {  	s28 =	simm.s32 $0x80;
	s29 =	simm.s32 $0x100;
	[sflag:s15] =	ssyncset.done $0x0  }
.LBB2_6:
0x5b: {  	s0 =	sadd.s32 s28, s13  }
0x5c: {  	[sflag:s15] =	ssyncadd.s32 $0xFFFFC000;
	s28 =	smov.u32 s29;
	s30 =	sadd.s32 $0x80, s29  }
0x5d: {  	[tilespmem:s4], [sflag:$0x3] =	stream.linear.gather [hbm4b:s0+s4], $0x400, $0x38;
	[tilespmem:$0x1C400] =	vst v63  }
0x5e: {  	p0 =	sne.s32 s29, $0x980;
	_ =	swait.ge [sflag:s15], $0x400  }
0x5f: {  	[sflag:s15] =	ssyncset.done $0x0  }
0x60: {  	[sflag:s15] =	ssyncadd.s32 $0xFFFFFC00  }
0x61: {  	[spmem:s2] =	stream.indirect.scatter.add.f32 [tilespmem:s14], [sflag:$0x3], $0x80, s16, s16, $0xb8;
	[tilespmem:$0x1C400] =	vst v63  }
0x62: {  	_ =	swait.ge [sflag:s15], $0x4000  }
0x63: {  	[sflag:s15] =	ssyncset.done $0x0  }
0x64: {  	[sflag:s15] =	ssyncadd.s32 $0xFFFFC000  }
0x65: {  	[spmem:s2] =	stream.indirect.scatter.add.f32 [tilespmem:s14], [sflag:$0x3], $0x80, s17, s16, $0xb8;
	[tilespmem:$0x1C400] =	vst v63  }
0x66: {  	_ =	swait.ge [sflag:s15], $0x4000  }
0x67: {  	[sflag:s15] =	ssyncset.done $0x0  }
0x68: {  	[sflag:s15] =	ssyncadd.s32 $0xFFFFC000  }
0x69: {  	[spmem:s2] =	stream.indirect.scatter.add.f32 [tilespmem:s14], [sflag:$0x3], $0x80, s18, s16, $0xb8;
	[tilespmem:$0x1C400] =	vst v63  }
0x6a: {  	_ =	swait.ge [sflag:s15], $0x4000  }
.Ltmp2:
0x6b: {  	[sflag:s15] =	ssyncset.done $0x0;
	(pc) =	sbr.rel @p0 .LBB2_6-.Ltmp2, $4  }
0x6c: {  	[sflag:s15] =	ssyncadd.s32 $0xFFFFC000  }
0x6d: {  	[spmem:s2] =	stream.indirect.scatter.add.f32 [tilespmem:s14], [sflag:$0x3], $0x80, s19, s16, $0xb8;
	[tilespmem:$0x1C400] =	vst v63  }
0x6e: {  	_ =	swait.ge [sflag:s15], $0x4000  }
0x6f: {  	s29 =	smov.u32 s30;
	[sflag:s15] =	ssyncset.done $0x0  }
0x70: {  	s0 =	sadd.s32 s28, s13;
	[sflag:s15] =	ssyncadd.s32 $0xFFFFC000  }
0x71: {  	[tilespmem:s4], [sflag:$0x3] =	stream.linear.gather [hbm4b:s0+s4], $0x400, $0x38;
	[tilespmem:$0x1C400] =	vst v63  }
0x72: {  	_ =	swait.ge [sflag:s15], $0x400  }
0x73: {  	[sflag:s15] =	ssyncset.done $0x0  }
0x74: {  	[sflag:s15] =	ssyncadd.s32 $0xFFFFFC00  }
0x75: {  	[spmem:s2] =	stream.indirect.scatter.add.f32 [tilespmem:s14], [sflag:$0x3], $0x80, s16, s16, $0xb8;
	[tilespmem:$0x1C400] =	vst v63  }
0x76: {  	_ =	swait.ge [sflag:s15], $0x4000  }
0x77: {  	[sflag:s15] =	ssyncset.done $0x0  }
0x78: {  	[sflag:s15] =	ssyncadd.s32 $0xFFFFC000  }
0x79: {  	[spmem:s2] =	stream.indirect.scatter.add.f32 [tilespmem:s14], [sflag:$0x3], $0x80, s17, s16, $0xb8;
	[tilespmem:$0x1C400] =	vst v63  }
0x7a: {  	_ =	swait.ge [sflag:s15], $0x4000  }
0x7b: {  	[sflag:s15] =	ssyncset.done $0x0  }
0x7c: {  	[sflag:s15] =	ssyncadd.s32 $0xFFFFC000  }
0x7d: {  	[spmem:s2] =	stream.indirect.scatter.add.f32 [tilespmem:s14], [sflag:$0x3], $0x80, s18, s16, $0xb8;
	[tilespmem:$0x1C400] =	vst v63  }
0x7e: {  	_ =	swait.ge [sflag:s15], $0x4000  }
0x7f: {  	[sflag:s15] =	ssyncset.done $0x0  }
0x80: {  	[sflag:s15] =	ssyncadd.s32 $0xFFFFC000  }
0x81: {  	[spmem:s2] =	stream.indirect.scatter.add.f32 [tilespmem:s14], [sflag:$0x3], $0x80, s19, s16, $0xb8;
	[tilespmem:$0x1C400] =	vst v63  }
0x82: {  	_ =	swait.ge [sflag:s15], $0x4000  }
0x83: {  	s3 =	stileid.u32;
	[sflag:s15] =	ssyncset.done $0x0  }
0x84: {  	s0 =	sshll.u32 s3, $0x6;
	[sflag:s15] =	ssyncadd.s32 $0xFFFFC000  }
0x85: {  	s29 =	sshrl.u32 s5, $0x3;
	s28 =	sor.u32 $0x1C03, s0;
	[bflag:$0x0] =	sbarrier.arrive $0xFFFF  }
0x86: {  	[hbm:s6], [sflag:s28] =	dma.local [spmem:s29], $0x2800  }
0x87: {  	_ =	swait.ge [sflag:s15], $0x2800  }
0x88: {  	[sflag:s15] =	ssyncset.done $0x0  }
0x89: {  	s30 =	simm.s32 $0x0;
	s31 =	simm.s32 $0x200;
	[sflag:s15] =	ssyncadd.s32 $0xFFFFD800  }
.LBB2_8:
0x8a: {  	p0 =	sne.s32 s31, $0xFE00;
	[tilespmem:s30+$0x470] =	vst v0  }
0x8b: {  	[tilespmem:s30+$0x400] =	vst v0  }
0x8c: {  	[tilespmem:s30+$0x410] =	vst v0  }
.Ltmp3:
0x8d: {  	[tilespmem:s30+$0x420] =	vst v0;
	(pc) =	sbr.rel @p0 .LBB2_8-.Ltmp3, $4  }
0x8e: {  	[tilespmem:s30+$0x430] =	vst v0  }
0x8f: {  	[tilespmem:s30+$0x440] =	vst v0  }
0x90: {  	[tilespmem:s30+$0x450] =	vst v0  }
0x91: {  	[tilespmem:s30+$0x460] =	vst v0;
	s30 =	sshra.s32 s31, $0x2;
	s31 =	sadd.s32 $0x200, s31  }
0x92: {  	[tilespmem:s30+$0x470] =	vst v0  }
0x93: {  	[tilespmem:s30+$0x400] =	vst v0  }
0x94: {  	[tilespmem:s30+$0x410] =	vst v0  }
0x95: {  	[tilespmem:s30+$0x420] =	vst v0  }
0x96: {  	[tilespmem:s30+$0x430] =	vst v0  }
0x97: {  	[tilespmem:s30+$0x440] =	vst v0  }
0x98: {  	[tilespmem:s30+$0x450] =	vst v0  }
0x99: {  	[tilespmem:s30+$0x460] =	vst v0  }
0x9a: {  	[spmem:s5] =	stream.linear.scatter [tilespmem:s14], [sflag:$0x3], $0x4000, $0x38;
	[tilespmem:$0x1C400] =	vst v63  }
0x9b: {  	_ =	swait.ge [sflag:s15], $0x4000  }
0x9c: {  	[sflag:s15] =	ssyncset.done $0x0  }
0x9d: {  	[sflag:s15] =	ssyncadd.s32 $0xFFFFC000  }
0x9e: {  	[spmem:s9] =	stream.linear.scatter [tilespmem:s14], [sflag:$0x3], $0x4000, $0x38;
	[tilespmem:$0x1C400] =	vst v63  }
0x9f: {  	_ =	swait.ge [sflag:s15], $0x4000  }
0xa0: {  	[sflag:s15] =	ssyncset.done $0x0  }
0xa1: {  	[sflag:s15] =	ssyncadd.s32 $0xFFFFC000  }
0xa2: {  	[spmem:s10] =	stream.linear.scatter [tilespmem:s14], [sflag:$0x3], $0x4000, $0x38;
	[tilespmem:$0x1C400] =	vst v63  }
0xa3: {  	_ =	swait.ge [sflag:s15], $0x4000  }
0xa4: {  	[sflag:s15] =	ssyncset.done $0x0  }
0xa5: {  	[sflag:s15] =	ssyncadd.s32 $0xFFFFC000  }
0xa6: {  	[spmem:s11] =	stream.linear.scatter [tilespmem:s14], [sflag:$0x3], $0x4000, $0x38;
	[tilespmem:$0x1C400] =	vst v63  }
0xa7: {  	_ =	swait.ge [sflag:s15], $0x4000  }
0xa8: {  	[sflag:s15] =	ssyncset.done $0x0  }
0xa9: {  	[sflag:s15] =	ssyncadd.s32 $0xFFFFC000  }
0xaa: {  	[spmem:s12] =	stream.linear.scatter [tilespmem:s14], [sflag:$0x3], $0x4000, $0x38;
	[tilespmem:$0x1C400] =	vst v63  }
0xab: {  	_ =	swait.ge [sflag:s15], $0x4000  }
0xac: {  	[sflag:s15] =	ssyncset.done $0x0  }
0xad: {  	[sflag:s15] =	ssyncadd.s32 $0xFFFFC000  }
0xae: {  	s0 =	sadd.s32 $0x0, s13;
	[bflag:$0x0] =	sbarrier.arrive $0xFFFF  }
0xaf: {  	[tilespmem:s4], [sflag:$0x3] =	stream.linear.gather [hbm4b:s0+s4], $0x400, $0x38;
	[tilespmem:$0x1C400] =	vst v63  }
0xb0: {  	_ =	swait.ge [sflag:s15], $0x400  }
0xb1: {  	[sflag:s15] =	ssyncset.done $0x0  }
0xb2: {  	[sflag:s15] =	ssyncadd.s32 $0xFFFFFC00  }
0xb3: {  	[tilespmem:s14], [sflag:$0x1] =	stream.indirect.gather [hbm4b:s1+s16], $0x80, s4, s16, $0xb8;
	[tilespmem:$0x1C400] =	vst v63  }
0xb4: {  	_ = 	snop  }
0xb5: {  	[tilespmem:s21], [sflag:$0x2] =	stream.indirect.gather [hbm4b:s1+s16], $0x80, s20, s16, $0xb8;
	[tilespmem:$0x1C400] =	vst v63  }
0xb6: {  	_ =	swait.ge [sflag:s22], $0x4000  }
0xb7: {  	[sflag:s22] =	ssyncset.done $0x0  }
0xb8: {  	[sflag:s22] =	ssyncadd.s32 $0xFFFFC000  }
0xb9: {  	[spmem:s2] =	stream.indirect.scatter.add.f32 [tilespmem:s14], [sflag:$0x3], $0x80, s16, s16, $0xb8;
	[tilespmem:$0x1C400] =	vst v63  }
0xba: {  	_ =	swait.ge [sflag:s15], $0x4000  }
0xbb: {  	[sflag:s15] =	ssyncset.done $0x0  }
0xbc: {  	[sflag:s15] =	ssyncadd.s32 $0xFFFFC000  }
0xbd: {  	_ =	swait.ge [sflag:s23], $0x4000  }
0xbe: {  	[sflag:s23] =	ssyncset.done $0x0  }
0xbf: {  	[sflag:s23] =	ssyncadd.s32 $0xFFFFC000  }
0xc0: {  	[spmem:s2] =	stream.indirect.scatter.add.f32 [tilespmem:s21], [sflag:$0x3], $0x80, s17, s16, $0xb8;
	[tilespmem:$0x1C400] =	vst v63  }
0xc1: {  	_ =	swait.ge [sflag:s15], $0x4000  }
0xc2: {  	[sflag:s15] =	ssyncset.done $0x0  }
0xc3: {  	[sflag:s15] =	ssyncadd.s32 $0xFFFFC000  }
0xc4: {  	[tilespmem:s14], [sflag:$0x1] =	stream.indirect.gather [hbm4b:s1+s16], $0x80, s24, s16, $0xb8;
	[tilespmem:$0x1C400] =	vst v63  }
0xc5: {  	_ = 	snop  }
0xc6: {  	[tilespmem:s21], [sflag:$0x2] =	stream.indirect.gather [hbm4b:s1+s16], $0x80, s25, s16, $0xb8;
	[tilespmem:$0x1C400] =	vst v63  }
0xc7: {  	_ =	swait.ge [sflag:s22], $0x4000  }
0xc8: {  	[sflag:s22] =	ssyncset.done $0x0  }
0xc9: {  	[sflag:s22] =	ssyncadd.s32 $0xFFFFC000  }
0xca: {  	[spmem:s2] =	stream.indirect.scatter.add.f32 [tilespmem:s14], [sflag:$0x3], $0x80, s18, s16, $0xb8;
	[tilespmem:$0x1C400] =	vst v63  }
0xcb: {  	_ =	swait.ge [sflag:s15], $0x4000  }
0xcc: {  	[sflag:s15] =	ssyncset.done $0x0  }
0xcd: {  	[sflag:s15] =	ssyncadd.s32 $0xFFFFC000  }
0xce: {  	_ =	swait.ge [sflag:s23], $0x4000  }
0xcf: {  	[sflag:s23] =	ssyncset.done $0x0  }
0xd0: {  	[sflag:s23] =	ssyncadd.s32 $0xFFFFC000  }
0xd1: {  	[spmem:s2] =	stream.indirect.scatter.add.f32 [tilespmem:s21], [sflag:$0x3], $0x80, s19, s16, $0xb8;
	[tilespmem:$0x1C400] =	vst v63  }
0xd2: {  	_ =	swait.ge [sflag:s15], $0x4000  }
0xd3: {  	s30 =	simm.s32 $0x80;
	s31 =	simm.s32 $0x100;
	[sflag:s15] =	ssyncset.done $0x0  }
.LBB2_10:
0xd4: {  	s3 =	sadd.s32 s30, s13  }
0xd5: {  	[sflag:s15] =	ssyncadd.s32 $0xFFFFC000;
	s30 =	smov.u32 s31;
	s0 =	sadd.s32 $0x80, s31  }
0xd6: {  	[tilespmem:s4], [sflag:$0x3] =	stream.linear.gather [hbm4b:s3+s4], $0x400, $0x38;
	[tilespmem:$0x1C400] =	vst v63  }
0xd7: {  	p0 =	sne.s32 s31, $0x980;
	_ =	swait.ge [sflag:s15], $0x400  }
0xd8: {  	[sflag:s15] =	ssyncset.done $0x0  }
0xd9: {  	[sflag:s15] =	ssyncadd.s32 $0xFFFFFC00  }
0xda: {  	[tilespmem:s14], [sflag:$0x1] =	stream.indirect.gather [hbm4b:s1+s16], $0x80, s4, s16, $0xb8;
	[tilespmem:$0x1C400] =	vst v63  }
0xdb: {  	_ = 	snop  }
0xdc: {  	[tilespmem:s21], [sflag:$0x2] =	stream.indirect.gather [hbm4b:s1+s16], $0x80, s20, s16, $0xb8;
	[tilespmem:$0x1C400] =	vst v63  }
0xdd: {  	_ =	swait.ge [sflag:s22], $0x4000  }
0xde: {  	[sflag:s22] =	ssyncset.done $0x0  }
0xdf: {  	[sflag:s22] =	ssyncadd.s32 $0xFFFFC000  }
0xe0: {  	[spmem:s2] =	stream.indirect.scatter.add.f32 [tilespmem:s14], [sflag:$0x3], $0x80, s16, s16, $0xb8;
	[tilespmem:$0x1C400] =	vst v63  }
0xe1: {  	_ =	swait.ge [sflag:s15], $0x4000  }
0xe2: {  	[sflag:s15] =	ssyncset.done $0x0  }
0xe3: {  	[sflag:s15] =	ssyncadd.s32 $0xFFFFC000  }
0xe4: {  	_ =	swait.ge [sflag:s23], $0x4000  }
0xe5: {  	[sflag:s23] =	ssyncset.done $0x0  }
0xe6: {  	[sflag:s23] =	ssyncadd.s32 $0xFFFFC000  }
0xe7: {  	[spmem:s2] =	stream.indirect.scatter.add.f32 [tilespmem:s21], [sflag:$0x3], $0x80, s17, s16, $0xb8;
	[tilespmem:$0x1C400] =	vst v63  }
0xe8: {  	_ =	swait.ge [sflag:s15], $0x4000  }
0xe9: {  	[sflag:s15] =	ssyncset.done $0x0  }
0xea: {  	[sflag:s15] =	ssyncadd.s32 $0xFFFFC000  }
0xeb: {  	[tilespmem:s14], [sflag:$0x1] =	stream.indirect.gather [hbm4b:s1+s16], $0x80, s24, s16, $0xb8;
	[tilespmem:$0x1C400] =	vst v63  }
0xec: {  	_ = 	snop  }
0xed: {  	[tilespmem:s21], [sflag:$0x2] =	stream.indirect.gather [hbm4b:s1+s16], $0x80, s25, s16, $0xb8;
	[tilespmem:$0x1C400] =	vst v63  }
0xee: {  	_ =	swait.ge [sflag:s22], $0x4000  }
0xef: {  	[sflag:s22] =	ssyncset.done $0x0  }
0xf0: {  	[sflag:s22] =	ssyncadd.s32 $0xFFFFC000  }
0xf1: {  	[spmem:s2] =	stream.indirect.scatter.add.f32 [tilespmem:s14], [sflag:$0x3], $0x80, s18, s16, $0xb8;
	[tilespmem:$0x1C400] =	vst v63  }
0xf2: {  	_ =	swait.ge [sflag:s15], $0x4000  }
0xf3: {  	[sflag:s15] =	ssyncset.done $0x0  }
0xf4: {  	[sflag:s15] =	ssyncadd.s32 $0xFFFFC000  }
0xf5: {  	_ =	swait.ge [sflag:s23], $0x4000  }
.Ltmp4:
0xf6: {  	[sflag:s23] =	ssyncset.done $0x0;
	(pc) =	sbr.rel @p0 .LBB2_10-.Ltmp4, $4  }
0xf7: {  	[sflag:s23] =	ssyncadd.s32 $0xFFFFC000  }
0xf8: {  	[spmem:s2] =	stream.indirect.scatter.add.f32 [tilespmem:s21], [sflag:$0x3], $0x80, s19, s16, $0xb8;
	[tilespmem:$0x1C400] =	vst v63  }
0xf9: {  	_ =	swait.ge [sflag:s15], $0x4000  }
0xfa: {  	s31 =	smov.u32 s0;
	[sflag:s15] =	ssyncset.done $0x0  }
0xfb: {  	s0 =	sadd.s32 s30, s13;
	[sflag:s15] =	ssyncadd.s32 $0xFFFFC000  }
0xfc: {  	[tilespmem:s4], [sflag:$0x3] =	stream.linear.gather [hbm4b:s0+s4], $0x400, $0x38;
	[tilespmem:$0x1C400] =	vst v63  }
0xfd: {  	_ =	swait.ge [sflag:s15], $0x400  }
0xfe: {  	[sflag:s15] =	ssyncset.done $0x0  }
0xff: {  	[sflag:s15] =	ssyncadd.s32 $0xFFFFFC00  }
0x100: {  	[tilespmem:s14], [sflag:$0x1] =	stream.indirect.gather [hbm4b:s1+s16], $0x80, s4, s16, $0xb8;
	[tilespmem:$0x1C400] =	vst v63  }
0x101: {  	_ = 	snop  }
0x102: {  	[tilespmem:s21], [sflag:$0x2] =	stream.indirect.gather [hbm4b:s1+s16], $0x80, s20, s16, $0xb8;
	[tilespmem:$0x1C400] =	vst v63  }
0x103: {  	_ =	swait.ge [sflag:s22], $0x4000  }
0x104: {  	[sflag:s22] =	ssyncset.done $0x0  }
0x105: {  	[sflag:s22] =	ssyncadd.s32 $0xFFFFC000  }
0x106: {  	[spmem:s2] =	stream.indirect.scatter.add.f32 [tilespmem:s14], [sflag:$0x3], $0x80, s16, s16, $0xb8;
	[tilespmem:$0x1C400] =	vst v63  }
0x107: {  	_ =	swait.ge [sflag:s15], $0x4000  }
0x108: {  	[sflag:s15] =	ssyncset.done $0x0  }
0x109: {  	[sflag:s15] =	ssyncadd.s32 $0xFFFFC000  }
0x10a: {  	_ =	swait.ge [sflag:s23], $0x4000  }
0x10b: {  	[sflag:s23] =	ssyncset.done $0x0  }
0x10c: {  	[sflag:s23] =	ssyncadd.s32 $0xFFFFC000  }
0x10d: {  	[spmem:s2] =	stream.indirect.scatter.add.f32 [tilespmem:s21], [sflag:$0x3], $0x80, s17, s16, $0xb8;
	[tilespmem:$0x1C400] =	vst v63  }
0x10e: {  	_ =	swait.ge [sflag:s15], $0x4000  }
0x10f: {  	[sflag:s15] =	ssyncset.done $0x0  }
0x110: {  	[sflag:s15] =	ssyncadd.s32 $0xFFFFC000  }
0x111: {  	[tilespmem:s14], [sflag:$0x1] =	stream.indirect.gather [hbm4b:s1+s16], $0x80, s24, s16, $0xb8;
	[tilespmem:$0x1C400] =	vst v63  }
0x112: {  	_ = 	snop  }
0x113: {  	[tilespmem:s21], [sflag:$0x2] =	stream.indirect.gather [hbm4b:s1+s16], $0x80, s25, s16, $0xb8;
	[tilespmem:$0x1C400] =	vst v63  }
0x114: {  	_ =	swait.ge [sflag:s22], $0x4000  }
0x115: {  	[sflag:s22] =	ssyncset.done $0x0  }
0x116: {  	[sflag:s22] =	ssyncadd.s32 $0xFFFFC000  }
0x117: {  	[spmem:s2] =	stream.indirect.scatter.add.f32 [tilespmem:s14], [sflag:$0x3], $0x80, s18, s16, $0xb8;
	[tilespmem:$0x1C400] =	vst v63  }
0x118: {  	_ =	swait.ge [sflag:s15], $0x4000  }
0x119: {  	[sflag:s15] =	ssyncset.done $0x0  }
0x11a: {  	[sflag:s15] =	ssyncadd.s32 $0xFFFFC000  }
0x11b: {  	_ =	swait.ge [sflag:s23], $0x4000  }
0x11c: {  	[sflag:s23] =	ssyncset.done $0x0  }
0x11d: {  	[sflag:s23] =	ssyncadd.s32 $0xFFFFC000  }
0x11e: {  	[spmem:s2] =	stream.indirect.scatter.add.f32 [tilespmem:s21], [sflag:$0x3], $0x80, s19, s16, $0xb8;
	[tilespmem:$0x1C400] =	vst v63  }
0x11f: {  	_ =	swait.ge [sflag:s15], $0x4000  }
0x120: {  	s26 =	sadd.s32 $0x1, s26;
	[sflag:s15] =	ssyncset.done $0x0  }
0x121: {  	p0 =	sne.s32 s26, s8;
	[sflag:s15] =	ssyncadd.s32 $0xFFFFC000  }
.Ltmp5:
0x122: {  	[bflag:$0x0] =	sbarrier.arrive $0xFFFF;
	(pc) =	sbr.rel @p0 .LBB2_1-.Ltmp5, $4  }
0x123: {  	[hbm:s7], [sflag:s28] =	dma.local [spmem:s29], $0x2800  }
0x124: {  	_ =	swait.ge [sflag:s15], $0x2800  }
0x125: {  	[sflag:s15] =	ssyncset.done $0x0  }
0x126: {  	[sflag:s15] =	ssyncadd.s32 $0xFFFFD800  }
0x127: {  	_ =	sfence.sel $0x180000  }
0x128: {  	[bflag:$0x0] =	sbarrier.arrive $0xFFFF  }
0x129: {  	_ =	strace $0x90000047  }
0x12a: {  	s0 =	stileid.u32;
	[bflag:$0x2] =	sbarrier.arrive $0xFFFF  }
0x12b: {  	p0 =	sne.s32 s0, $0x0;
	s0 =	rddreg [dreg:$0x3]  }
0x12c: {  	s0 =	sadd.s32 @!p0 $0x100000, s0  }
0x12d: {  	[sflag:s0] =	ssyncadd.tile.s32 @!p0 $0x1;
	_ =	shalt  }
.Lfunc_end2:
_tile_overlayer_lowered:
.L_overlay_start_2:
0x12e: {  	(tag) =	ssettag $0x2  }
0x12f: {  	s0 =	rddreg [dreg:$0x0];
	s2 =	stileid.u32  }
0x130: {  	s1 =	rddreg [dreg:$0x1];
	p0 =	sne.s32 s2, $0x0  }
0x131: {  	s3 =	rddreg [dreg:$0x2];
	[bflag:$0x3] =	sbarrier.arrive $0xFFFF;
	s2 =	simm.s32 @!p0 $0x1C03  }
0x132: {  	[timem:s3], [sflag:s2] =	dma.local @!p0 [hbm:s0], s1  }
0x133: {  	s0 =	simm.s32 @!p0 $0x3  }
0x134: {  	_ =	swait.ge @!p0 [sflag:s0], s1  }
0x135: {  	s1 =	ssub.s32 @!p0 $0x0, s1;
	[sflag:s0] =	ssyncset.done @!p0 $0x0  }
0x136: {  	[sflag:s0] =	ssyncadd.s32 @!p0 s1  }
0x137: {  	[bflag:$0x3] =	sbarrier.arrive $0xFFFF  }
0x138: {  	_ =	shalt  }

</sc_bundles>
